<compile_context>
chip_gen: v7x
topology: tpu7x:2x2x1
jax: 0.10.2.dev20260603
libtpu: 0.0.44.dev20260713+nightly
codegen_flags: <defaults>
</compile_context>

<pallas_src>
import functools

import jax
import jax.numpy as jnp
from jax import lax
from jax.experimental import pallas as pl
from jax.experimental.pallas import tpu as pltpu
from jax.experimental.pallas import tpu_sc as plsc

_N_NODES = 100000
_N_SEG = 2000
_SEG_PAD = 2048
_CHUNK = 6272
_CHUNK_LAST = _N_NODES - 15 * _CHUNK


def _seg_flags_body(batch_hbm, out_hbm, chunk, local, tmp, orow, shared):
    cid = lax.axis_index("c")
    sid = lax.axis_index("s")
    zeros16 = jnp.zeros((16,), jnp.float32)
    ones16 = jnp.ones((16,), jnp.float32)

    def _zero(j, c):
        for u in range(4):
            local[pl.ds(j * 64 + u * 16, 16)] = zeros16
        return c

    lax.fori_loop(0, _SEG_PAD // 64, _zero, 0)

    @pl.when(sid < 15)
    def _():
        pltpu.sync_copy(batch_hbm.at[pl.ds(sid * _CHUNK, _CHUNK)], chunk)

    @pl.when(sid == 15)
    def _():
        pltpu.sync_copy(batch_hbm.at[pl.ds(15 * _CHUNK, _CHUNK_LAST)],
                        chunk.at[pl.ds(0, _CHUNK_LAST)])

    n_pair = jnp.where(sid == 15, _CHUNK_LAST // 32, _CHUNK // 32)

    def _scatter(i, c):
        idx0 = chunk[pl.ds(i * 32, 16)]
        idx1 = chunk[pl.ds(i * 32 + 16, 16)]
        plsc.store_scatter(local, [idx0], ones16)
        plsc.store_scatter(local, [idx1], ones16)
        return c

    lax.fori_loop(0, n_pair, _scatter, 0)

    pltpu.sync_copy(local, shared.at[sid])
    plsc.subcore_barrier()
    pltpu.sync_copy(shared.at[:, pl.ds(sid * 128, 128)], tmp)
    for j in range(8):
        acc = tmp[0, pl.ds(j * 16, 16)]
        for t in range(1, 16):
            acc = acc + tmp[t, pl.ds(j * 16, 16)]
        orow[pl.ds(j * 16, 16)] = jnp.where(acc > 0.0, 1.0, 0.0)

    @pl.when(cid == 0)
    def _():
        pltpu.sync_copy(orow, out_hbm.at[pl.ds(sid * 128, 128)])


_seg_flags = pl.kernel(
    _seg_flags_body,
    out_type=jax.ShapeDtypeStruct((_SEG_PAD,), jnp.float32),
    mesh=plsc.VectorSubcoreMesh(core_axis_name="c", subcore_axis_name="s",
                                num_cores=1),
    compiler_params=pltpu.CompilerParams(needs_layout_passes=False,
                                         skip_device_barrier=True),
    scratch_types=[
        pltpu.VMEM((_CHUNK,), jnp.int32),
        pltpu.VMEM((_SEG_PAD,), jnp.float32),
        pltpu.VMEM((16, 128), jnp.float32),
        pltpu.VMEM((128,), jnp.float32),
        pltpu.VMEM_SHARED((16, _SEG_PAD), jnp.float32),
    ],
    name="seg_nonempty_flags",
)


def _dot_t(a, b):
    return lax.dot_general(a, b, (((1,), (1,)), ((), ())),
                           preferred_element_type=jnp.float32)


def _gru_body(h_ref, m_ref,
              tw0_ref, tb0_ref, wih0_ref, whh0_ref, bih0_ref, bhh0_ref,
              tw1_ref, tb1_ref, wih1_ref, whh1_ref, bih1_ref, bhh1_ref,
              out_ref):
    h = h_ref[...]
    m = m_ref[...].reshape(_SEG_PAD, 1)[0:_N_SEG, :]

    def step(h, tw, tb, wih, whh, bih, bhh):
        cs = (_dot_t(h, tw) + tb[None, :]) * m
        cs = jnp.where(cs > 0.0, cs, jnp.exp(jnp.minimum(cs, 0.0)) - 1.0)
        gi = _dot_t(cs, wih) + bih[None, :]
        gh = _dot_t(h, whh) + bhh[None, :]
        r = jax.nn.sigmoid(gi[:, 0:128] + gh[:, 0:128])
        z = jax.nn.sigmoid(gi[:, 128:256] + gh[:, 128:256])
        n = jnp.tanh(gi[:, 256:384] + r * gh[:, 256:384])
        return (1.0 - z) * n + z * h

    h = step(h, tw0_ref[...], tb0_ref[...], wih0_ref[...], whh0_ref[...],
             bih0_ref[...], bhh0_ref[...])
    h = step(h, tw1_ref[...], tb1_ref[...], wih1_ref[...], whh1_ref[...],
             bih1_ref[...], bhh1_ref[...])
    out_ref[...] = h


def _fused_gru(h_s, mask, *weights):
    return pl.pallas_call(
        _gru_body,
        out_shape=jax.ShapeDtypeStruct((_N_SEG, 128), jnp.float32),
    )(h_s, mask, *weights)


def kernel(h_s, x, batch, aw0, ab0, tw0, tb0, wih0, whh0, bih0, bhh0,
           aw1, ab1, tw1, tb1, wih1, whh1, bih1, bhh1):
    mask = _seg_flags(batch.astype(jnp.int32))
    return _fused_gru(
        h_s, mask,
        tw0, tb0, wih0, whh0, bih0, bhh0,
        tw1, tb1, wih1, whh1, bih1, bhh1,
    )

# --- scband reference (transcript-rebuilt; emitter-appended) ---
"""Pipeline reference for scband-molecule-embedding-9174050144966 (READ-ONLY COPY).

The authoritative reference and input builder live on the scoring server;
editing this copy changes nothing except your own understanding.
"""

import jax, jax.numpy as jnp
import numpy as np

FP = 128
N_NODES = 100000
N_GRAPHS = 2000
T = 2

PNAMES = ["aw0","ab0","tw0","tb0","wih0","whh0","bih0","bhh0",
          "aw1","ab1","tw1","tb1","wih1","whh1","bih1","bhh1"]

def _init_params(key):
    params = []
    s = 0.05
    for t in range(T):
        k = jax.random.split(jax.random.fold_in(key, t), 4)
        aw = jax.random.normal(k[0], (1, 2 * FP), dtype=jnp.float32) * s
        ab = jnp.zeros((1,), jnp.float32)
        tw = jax.random.normal(k[1], (FP, FP), dtype=jnp.float32) * s
        tb = jnp.zeros((FP,), jnp.float32)
        wih = jax.random.normal(k[2], (3 * FP, FP), dtype=jnp.float32) * s
        whh = jax.random.normal(k[3], (3 * FP, FP), dtype=jnp.float32) * s
        bih = jnp.zeros((3 * FP,), jnp.float32)
        bhh = jnp.zeros((3 * FP,), jnp.float32)
        params += [aw, ab, tw, tb, wih, whh, bih, bhh]
    return params

def setup_inputs(seed: int = 0):
    key = jax.random.key(seed)
    k1, k2, k3, kp = jax.random.split(key, 4)
    inp = {
        "h_s": jax.random.normal(k1, (N_GRAPHS, FP), dtype=jnp.float32),
        "x": jax.random.normal(k2, (N_NODES, FP), dtype=jnp.float32),
        "batch": jnp.sort(jax.random.randint(k3, (N_NODES,), 0, N_GRAPHS)),
    }
    for n, p in zip(PNAMES, _init_params(kp)):
        inp[n] = p
    return inp

def _leaky_relu(v):
    return jnp.where(v >= 0, v, 0.01 * v)

def _elu(v):
    return jnp.where(v > 0, v, jnp.expm1(v))

def _step(h_s, x, batch, aw, ab, tw, tb, wih, whh, bih, bhh):
    n_seg = h_s.shape[0]
    h_ex = jnp.take(h_s, batch, axis=0)                      # gather supernode -> atoms
    e = _leaky_relu(jnp.concatenate([h_ex, x], axis=-1) @ aw.T + ab)   # [N,1] align score
    m = jax.ops.segment_max(e, batch, num_segments=n_seg)
    m = jnp.where(jnp.isfinite(m), m, 0.0)
    ex = jnp.exp(e - jnp.take(m, batch, axis=0))
    denom = jax.ops.segment_sum(ex, batch, num_segments=n_seg)
    a = ex / (jnp.take(denom, batch, axis=0) + 1e-16)        # segment softmax
    attended = h_ex @ tw.T + tb                               # mol_attend (dropout=identity in eval)
    cs = jax.ops.segment_sum(a * attended, batch, num_segments=n_seg)  # scatter-add per molecule
    cs = _elu(cs)
    # GRUCell(cs, h_s)
    gi = cs @ wih.T + bih
    gh = h_s @ whh.T + bhh
    ir, iz, inn = jnp.split(gi, 3, axis=-1)
    hr, hz, hn = jnp.split(gh, 3, axis=-1)
    r = jax.nn.sigmoid(ir + hr)
    z = jax.nn.sigmoid(iz + hz)
    n = jnp.tanh(inn + r * hn)
    return (1.0 - z) * n + z * h_s

def reference(h_s, x, batch, aw0, ab0, tw0, tb0, wih0, whh0, bih0, bhh0,
              aw1, ab1, tw1, tb1, wih1, whh1, bih1, bhh1):
    h_s = _step(h_s, x, batch, aw0, ab0, tw0, tb0, wih0, whh0, bih0, bhh0)
    h_s = _step(h_s, x, batch, aw1, ab1, tw1, tb1, wih1, whh1, bih1, bhh1)
    return h_s

if __name__ == "__main__":
    import jax
    _d = setup_inputs()
    print(jax.jit(kernel)(*tuple(_d.values())))

</pallas_src>

<mosaic_0001>
#map = affine_map<(d0, d1) -> (0)>
module attributes {stable_mosaic.version = 14 : i64} {
  func.func @seg_nonempty_flags(%arg0: i32, %arg1: i32, %arg2: memref<100000xi32, #tpu.memory_space<hbm>>, %arg3: memref<2048xf32, #tpu.memory_space<hbm>>, %arg4: memref<6272xi32, #tpu.memory_space<vmem>>, %arg5: memref<2048xf32, #tpu.memory_space<vmem>>, %arg6: memref<16x128xf32, #tpu.memory_space<vmem>>, %arg7: memref<128xf32, #tpu.memory_space<vmem>>, %arg8: memref<16x2048xf32, #tpu.memory_space<vmem_shared>>) attributes {dimension_semantics = [#tpu.dimension_semantics<core_parallel>, #tpu.dimension_semantics<subcore_parallel>], iteration_bounds = array<i64: 1, 16>, scalar_prefetch = 0 : i64, scratch_operands = 5 : i64, tpu.core_type = #tpu.core_type<sc_vector_subcore>, window_params = [{transform_indices = #map}, {transform_indices = #map}]} {
    %broadcast_in_dim3A = arith.constant 0.000000e+00 : f32
    %broadcast_in_dim3A_0 = vector.broadcast %broadcast_in_dim3A : f32 to vector<16xf32>
    %broadcast_in_dim3A_1 = arith.constant 1.000000e+00 : f32
    %broadcast_in_dim3A_2 = vector.broadcast %broadcast_in_dim3A_1 : f32 to vector<16xf32>
    %scan3A = arith.constant 0 : i32
    %scan3A_3 = arith.constant 0 : i32
    %scan3A_4 = arith.constant 32 : i32
    %scan3A_5 = arith.addi %scan3A_3, %scan3A_4 : i32
    %scan3A_6 = arith.constant 1 : i32
    scf.for %scan3A_740 = %scan3A_3 to %scan3A_5 step %scan3A_6  : i32 {
      %mul3A_741 = arith.constant 64 : i32
      %mul3A_742 = arith.muli %scan3A_740, %mul3A_741 : i32
      %add3A_743 = arith.constant 0 : i32
      %add3A_744 = arith.addi %mul3A_742, %add3A_743 : i32
      %swap3A_745 = arith.index_cast %add3A_744 : i32 to index
      %swap3A_746 = tpu.vector_load %arg5[%swap3A_745] {strides = array<i32>} : memref<2048xf32, #tpu.memory_space<vmem>>, vector<16xf32>,
      tpu.vector_store %arg5[%swap3A_745], %broadcast_in_dim3A_0 {strides = array<i32>} : memref<2048xf32, #tpu.memory_space<vmem>>, vector<16xf32>,
      %mul3A_747 = arith.constant 64 : i32
      %mul3A_748 = arith.muli %scan3A_740, %mul3A_747 : i32
      %add3A_749 = arith.constant 16 : i32
      %add3A_750 = arith.addi %mul3A_748, %add3A_749 : i32
      %swap3A_751 = arith.index_cast %add3A_750 : i32 to index
      %swap3A_752 = tpu.vector_load %arg5[%swap3A_751] {strides = array<i32>} : memref<2048xf32, #tpu.memory_space<vmem>>, vector<16xf32>,
      tpu.vector_store %arg5[%swap3A_751], %broadcast_in_dim3A_0 {strides = array<i32>} : memref<2048xf32, #tpu.memory_space<vmem>>, vector<16xf32>,
      %mul3A_753 = arith.constant 64 : i32
      %mul3A_754 = arith.muli %scan3A_740, %mul3A_753 : i32
      %add3A_755 = arith.constant 32 : i32
      %add3A_756 = arith.addi %mul3A_754, %add3A_755 : i32
      %swap3A_757 = arith.index_cast %add3A_756 : i32 to index
      %swap3A_758 = tpu.vector_load %arg5[%swap3A_757] {strides = array<i32>} : memref<2048xf32, #tpu.memory_space<vmem>>, vector<16xf32>,
      tpu.vector_store %arg5[%swap3A_757], %broadcast_in_dim3A_0 {strides = array<i32>} : memref<2048xf32, #tpu.memory_space<vmem>>, vector<16xf32>,
      %mul3A_759 = arith.constant 64 : i32
      %mul3A_760 = arith.muli %scan3A_740, %mul3A_759 : i32
      %add3A_761 = arith.constant 48 : i32
      %add3A_762 = arith.addi %mul3A_760, %add3A_761 : i32
      %swap3A_763 = arith.index_cast %add3A_762 : i32 to index
      %swap3A_764 = tpu.vector_load %arg5[%swap3A_763] {strides = array<i32>} : memref<2048xf32, #tpu.memory_space<vmem>>, vector<16xf32>,
      tpu.vector_store %arg5[%swap3A_763], %broadcast_in_dim3A_0 {strides = array<i32>} : memref<2048xf32, #tpu.memory_space<vmem>>, vector<16xf32>,
    }
    %scan3A_7 = arith.constant 32 : i32
    %lt3A = arith.constant 15 : i32
    %lt3A_8 = arith.cmpi slt, %arg1, %lt3A : i32
    %convert_element_type3A = arith.extui %lt3A_8 : i1 to i32
    %cond3A = arith.constant 0 : i32
    %cond3A_9 = arith.cmpi ne, %convert_element_type3A, %cond3A : i32
    scf.if %cond3A_9 {
      %mul3A_740 = arith.constant 6272 : i32
      %mul3A_741 = arith.muli %arg1, %mul3A_740 : i32
      "tpu.region"() ({
        %run_scoped3A = tpu.sem_alloc : memref<!tpu.dma_semaphore, #tpu.memory_space<semaphore_mem>>
        %dma_start3A = tpu.memref_slice %arg2[%mul3A_741] : memref<100000xi32, #tpu.memory_space<hbm>> -> memref<6272xi32, #tpu.memory_space<hbm>>
        %dma_start3A_742 = tpu.memref_slice %arg2[%mul3A_741] : memref<100000xi32, #tpu.memory_space<hbm>> -> memref<6272xi32, #tpu.memory_space<hbm>>
        tpu.enqueue_dma source(%dma_start3A_742 : memref<6272xi32, #tpu.memory_space<hbm>>) target(%arg4 : memref<6272xi32, #tpu.memory_space<vmem>>) target_semaphore(%run_scoped3A : memref<!tpu.dma_semaphore, #tpu.memory_space<semaphore_mem>>)
        %dma_wait3A = tpu.memref_slice %arg2[%mul3A_741] : memref<100000xi32, #tpu.memory_space<hbm>> -> memref<6272xi32, #tpu.memory_space<hbm>>
        %dma_wait3A_743 = tpu.memref_slice %arg2[%mul3A_741] : memref<100000xi32, #tpu.memory_space<hbm>> -> memref<6272xi32, #tpu.memory_space<hbm>>
        tpu.wait_dma2 semaphore(%run_scoped3A : memref<!tpu.dma_semaphore, #tpu.memory_space<semaphore_mem>>) src(%dma_wait3A_743 : memref<6272xi32, #tpu.memory_space<hbm>>) dst(%arg4 : memref<6272xi32, #tpu.memory_space<vmem>>)
        tpu.yield
      }) : () -> ()
    } else {
    }
    %eq3A = arith.constant 15 : i32
    %eq3A_10 = arith.cmpi eq, %arg1, %eq3A : i32
    %convert_element_type3A_11 = arith.extui %eq3A_10 : i1 to i32
    %cond3A_12 = arith.constant 0 : i32
    %cond3A_13 = arith.cmpi ne, %convert_element_type3A_11, %cond3A_12 : i32
    scf.if %cond3A_13 {
      "tpu.region"() ({
        %run_scoped3A = tpu.sem_alloc : memref<!tpu.dma_semaphore, #tpu.memory_space<semaphore_mem>>
        %dma_start3A = arith.constant 0 : i32
        %dma_start3A_740 = tpu.memref_slice %arg4[%dma_start3A] : memref<6272xi32, #tpu.memory_space<vmem>> -> memref<5920xi32, #tpu.memory_space<vmem>>
        %dma_start3A_741 = arith.constant 94080 : i32
        %dma_start3A_742 = tpu.memref_slice %arg2[%dma_start3A_741] : memref<100000xi32, #tpu.memory_space<hbm>> -> memref<5920xi32, #tpu.memory_space<hbm>>
        %dma_start3A_743 = arith.constant 0 : i32
        %dma_start3A_744 = tpu.memref_slice %arg4[%dma_start3A_743] : memref<6272xi32, #tpu.memory_space<vmem>> -> memref<5920xi32, #tpu.memory_space<vmem>>
        %dma_start3A_745 = arith.constant 94080 : i32
        %dma_start3A_746 = tpu.memref_slice %arg2[%dma_start3A_745] : memref<100000xi32, #tpu.memory_space<hbm>> -> memref<5920xi32, #tpu.memory_space<hbm>>
        tpu.enqueue_dma source(%dma_start3A_746 : memref<5920xi32, #tpu.memory_space<hbm>>) target(%dma_start3A_744 : memref<5920xi32, #tpu.memory_space<vmem>>) target_semaphore(%run_scoped3A : memref<!tpu.dma_semaphore, #tpu.memory_space<semaphore_mem>>)
        %dma_wait3A = arith.constant 0 : i32
        %dma_wait3A_747 = tpu.memref_slice %arg4[%dma_wait3A] : memref<6272xi32, #tpu.memory_space<vmem>> -> memref<5920xi32, #tpu.memory_space<vmem>>
        %dma_wait3A_748 = arith.constant 94080 : i32
        %dma_wait3A_749 = tpu.memref_slice %arg2[%dma_wait3A_748] : memref<100000xi32, #tpu.memory_space<hbm>> -> memref<5920xi32, #tpu.memory_space<hbm>>
        %dma_wait3A_750 = arith.constant 0 : i32
        %dma_wait3A_751 = tpu.memref_slice %arg4[%dma_wait3A_750] : memref<6272xi32, #tpu.memory_space<vmem>> -> memref<5920xi32, #tpu.memory_space<vmem>>
        %dma_wait3A_752 = arith.constant 94080 : i32
        %dma_wait3A_753 = tpu.memref_slice %arg2[%dma_wait3A_752] : memref<100000xi32, #tpu.memory_space<hbm>> -> memref<5920xi32, #tpu.memory_space<hbm>>
        tpu.wait_dma2 semaphore(%run_scoped3A : memref<!tpu.dma_semaphore, #tpu.memory_space<semaphore_mem>>) src(%dma_wait3A_753 : memref<5920xi32, #tpu.memory_space<hbm>>) dst(%dma_wait3A_751 : memref<5920xi32, #tpu.memory_space<vmem>>)
        tpu.yield
      }) : () -> ()
    } else {
    }
    %eq3A_14 = arith.constant 15 : i32
    %eq3A_15 = arith.cmpi eq, %arg1, %eq3A_14 : i32
    %jit3A = arith.constant 185 : i32
    %jit3A_16 = arith.constant 196 : i32
    %select_n3A = arith.select %eq3A_15, %jit3A, %jit3A_16 : i32
    %while3A = arith.constant 0 : i32
    %while3A_17 = arith.constant 0 : i32
    %while3A_18 = arith.subi %select_n3A, %while3A_17 : i32
    %while3A_19 = arith.addi %while3A_17, %while3A_18 : i32
    %while3A_20 = arith.constant 1 : i32
    %while3A_21 = arith.divsi %while3A_18, %while3A_20 : i32
    %while3A_22 = arith.muli %while3A_21, %while3A_20 : i32
    %while3A_23 = arith.addi %while3A_17, %while3A_22 : i32
    %while3A_24 = arith.constant 1 : i32
    scf.for %while3A_740 = %while3A_17 to %while3A_23 step %while3A_24  : i32 {
      %mul3A_741 = arith.constant 32 : i32
      %mul3A_742 = arith.muli %while3A_740, %mul3A_741 : i32
      %get3A_743 = arith.index_cast %mul3A_742 : i32 to index
      %get3A_744 = tpu.vector_load %arg4[%get3A_743] {strides = array<i32>} : memref<6272xi32, #tpu.memory_space<vmem>>, vector<16xi32>,
      %mul3A_745 = arith.constant 32 : i32
      %mul3A_746 = arith.muli %while3A_740, %mul3A_745 : i32
      %add3A_747 = arith.constant 16 : i32
      %add3A_748 = arith.addi %mul3A_746, %add3A_747 : i32
      %get3A_749 = arith.index_cast %add3A_748 : i32 to index
      %get3A_750 = tpu.vector_load %arg4[%get3A_749] {strides = array<i32>} : memref<6272xi32, #tpu.memory_space<vmem>>, vector<16xi32>,
      tpu.vector_store_idx %arg5[%get3A_744], %broadcast_in_dim3A_2 : memref<2048xf32, #tpu.memory_space<vmem>>[vector<16xi32>], vector<16xf32>,
      tpu.vector_store_idx %arg5[%get3A_750], %broadcast_in_dim3A_2 : memref<2048xf32, #tpu.memory_space<vmem>>[vector<16xi32>], vector<16xf32>,
    }
    %while3A_25 = arith.constant 1 : i32
    scf.for %while3A_740 = %while3A_23 to %while3A_19 step %while3A_25  : i32 {
      %mul3A_741 = arith.constant 32 : i32
      %mul3A_742 = arith.muli %while3A_740, %mul3A_741 : i32
      %get3A_743 = arith.index_cast %mul3A_742 : i32 to index
      %get3A_744 = tpu.vector_load %arg4[%get3A_743] {strides = array<i32>} : memref<6272xi32, #tpu.memory_space<vmem>>, vector<16xi32>,
      %mul3A_745 = arith.constant 32 : i32
      %mul3A_746 = arith.muli %while3A_740, %mul3A_745 : i32
      %add3A_747 = arith.constant 16 : i32
      %add3A_748 = arith.addi %mul3A_746, %add3A_747 : i32
      %get3A_749 = arith.index_cast %add3A_748 : i32 to index
      %get3A_750 = tpu.vector_load %arg4[%get3A_749] {strides = array<i32>} : memref<6272xi32, #tpu.memory_space<vmem>>, vector<16xi32>,
      tpu.vector_store_idx %arg5[%get3A_744], %broadcast_in_dim3A_2 : memref<2048xf32, #tpu.memory_space<vmem>>[vector<16xi32>], vector<16xf32>,
      tpu.vector_store_idx %arg5[%get3A_750], %broadcast_in_dim3A_2 : memref<2048xf32, #tpu.memory_space<vmem>>[vector<16xi32>], vector<16xf32>,
    }
    "tpu.region"() ({
      %run_scoped3A = tpu.sem_alloc : memref<!tpu.dma_semaphore, #tpu.memory_space<semaphore_mem>>
      %dma_start3A = arith.constant 0 : i32
      %dma_start3A_740 = tpu.memref_slice %arg8[%arg1, %dma_start3A] : memref<16x2048xf32, #tpu.memory_space<vmem_shared>> -> memref<1x2048xf32, #tpu.memory_space<vmem_shared>>
      %dma_start3A_741 = tpu.memref_squeeze %dma_start3A_740 : memref<1x2048xf32, #tpu.memory_space<vmem_shared>> -> memref<2048xf32, #tpu.memory_space<vmem_shared>>
      %dma_start3A_742 = arith.constant 0 : i32
      %dma_start3A_743 = tpu.memref_slice %arg8[%arg1, %dma_start3A_742] : memref<16x2048xf32, #tpu.memory_space<vmem_shared>> -> memref<1x2048xf32, #tpu.memory_space<vmem_shared>>
      %dma_start3A_744 = tpu.memref_squeeze %dma_start3A_743 : memref<1x2048xf32, #tpu.memory_space<vmem_shared>> -> memref<2048xf32, #tpu.memory_space<vmem_shared>>
      tpu.enqueue_dma source(%arg5 : memref<2048xf32, #tpu.memory_space<vmem>>) target(%dma_start3A_744 : memref<2048xf32, #tpu.memory_space<vmem_shared>>) target_semaphore(%run_scoped3A : memref<!tpu.dma_semaphore, #tpu.memory_space<semaphore_mem>>)
      %dma_wait3A = arith.constant 0 : i32
      %dma_wait3A_745 = tpu.memref_slice %arg8[%arg1, %dma_wait3A] : memref<16x2048xf32, #tpu.memory_space<vmem_shared>> -> memref<1x2048xf32, #tpu.memory_space<vmem_shared>>
      %dma_wait3A_746 = tpu.memref_squeeze %dma_wait3A_745 : memref<1x2048xf32, #tpu.memory_space<vmem_shared>> -> memref<2048xf32, #tpu.memory_space<vmem_shared>>
      %dma_wait3A_747 = arith.constant 0 : i32
      %dma_wait3A_748 = tpu.memref_slice %arg8[%arg1, %dma_wait3A_747] : memref<16x2048xf32, #tpu.memory_space<vmem_shared>> -> memref<1x2048xf32, #tpu.memory_space<vmem_shared>>
      %dma_wait3A_749 = tpu.memref_squeeze %dma_wait3A_748 : memref<1x2048xf32, #tpu.memory_space<vmem_shared>> -> memref<2048xf32, #tpu.memory_space<vmem_shared>>
      tpu.wait_dma2 semaphore(%run_scoped3A : memref<!tpu.dma_semaphore, #tpu.memory_space<semaphore_mem>>) src(%arg5 : memref<2048xf32, #tpu.memory_space<vmem>>) dst(%dma_wait3A_749 : memref<2048xf32, #tpu.memory_space<vmem_shared>>)
      tpu.yield
    }) : () -> ()
    %barrier3A = arith.constant 0 : index
    tpu.barrier barrier_id(%barrier3A)
    %mul3A = arith.constant 128 : i32
    %mul3A_26 = arith.muli %arg1, %mul3A : i32
    "tpu.region"() ({
      %run_scoped3A = tpu.sem_alloc : memref<!tpu.dma_semaphore, #tpu.memory_space<semaphore_mem>>
      %dma_start3A = arith.constant 0 : i32
      %dma_start3A_740 = tpu.memref_slice %arg8[%dma_start3A, %mul3A_26] : memref<16x2048xf32, #tpu.memory_space<vmem_shared>> -> memref<16x128xf32, #tpu.memory_space<vmem_shared>>
      %dma_start3A_741 = arith.constant 0 : i32
      %dma_start3A_742 = tpu.memref_slice %arg8[%dma_start3A_741, %mul3A_26] : memref<16x2048xf32, #tpu.memory_space<vmem_shared>> -> memref<16x128xf32, #tpu.memory_space<vmem_shared>>
      tpu.enqueue_dma source(%dma_start3A_742 : memref<16x128xf32, #tpu.memory_space<vmem_shared>>) target(%arg6 : memref<16x128xf32, #tpu.memory_space<vmem>>) target_semaphore(%run_scoped3A : memref<!tpu.dma_semaphore, #tpu.memory_space<semaphore_mem>>)
      %dma_wait3A = arith.constant 0 : i32
      %dma_wait3A_743 = tpu.memref_slice %arg8[%dma_wait3A, %mul3A_26] : memref<16x2048xf32, #tpu.memory_space<vmem_shared>> -> memref<16x128xf32, #tpu.memory_space<vmem_shared>>
      %dma_wait3A_744 = arith.constant 0 : i32
      %dma_wait3A_745 = tpu.memref_slice %arg8[%dma_wait3A_744, %mul3A_26] : memref<16x2048xf32, #tpu.memory_space<vmem_shared>> -> memref<16x128xf32, #tpu.memory_space<vmem_shared>>
      tpu.wait_dma2 semaphore(%run_scoped3A : memref<!tpu.dma_semaphore, #tpu.memory_space<semaphore_mem>>) src(%dma_wait3A_745 : memref<16x128xf32, #tpu.memory_space<vmem_shared>>) dst(%arg6 : memref<16x128xf32, #tpu.memory_space<vmem>>)
      tpu.yield
    }) : () -> ()
    %get3A = arith.constant 0 : i32
    %get3A_27 = arith.index_cast %get3A : i32 to index
    %get3A_28 = arith.constant 0 : index
    %get3A_29 = tpu.vector_load %arg6[%get3A_27, %get3A_28] {strides = array<i32>} : memref<16x128xf32, #tpu.memory_space<vmem>>, vector<16xf32>,
    %get3A_30 = arith.constant 1 : i32
    %get3A_31 = arith.index_cast %get3A_30 : i32 to index
    %get3A_32 = arith.constant 0 : index
    %get3A_33 = tpu.vector_load %arg6[%get3A_31, %get3A_32] {strides = array<i32>} : memref<16x128xf32, #tpu.memory_space<vmem>>, vector<16xf32>,
    %add3A = arith.addf %get3A_29, %get3A_33 : vector<16xf32>
    %get3A_34 = arith.constant 2 : i32
    %get3A_35 = arith.index_cast %get3A_34 : i32 to index
    %get3A_36 = arith.constant 0 : index
    %get3A_37 = tpu.vector_load %arg6[%get3A_35, %get3A_36] {strides = array<i32>} : memref<16x128xf32, #tpu.memory_space<vmem>>, vector<16xf32>,
    %add3A_38 = arith.addf %add3A, %get3A_37 : vector<16xf32>
    %get3A_39 = arith.constant 3 : i32
    %get3A_40 = arith.index_cast %get3A_39 : i32 to index
    %get3A_41 = arith.constant 0 : index
    %get3A_42 = tpu.vector_load %arg6[%get3A_40, %get3A_41] {strides = array<i32>} : memref<16x128xf32, #tpu.memory_space<vmem>>, vector<16xf32>,
    %add3A_43 = arith.addf %add3A_38, %get3A_42 : vector<16xf32>
    %get3A_44 = arith.constant 4 : i32
    %get3A_45 = arith.index_cast %get3A_44 : i32 to index
    %get3A_46 = arith.constant 0 : index
    %get3A_47 = tpu.vector_load %arg6[%get3A_45, %get3A_46] {strides = array<i32>} : memref<16x128xf32, #tpu.memory_space<vmem>>, vector<16xf32>,
    %add3A_48 = arith.addf %add3A_43, %get3A_47 : vector<16xf32>
    %get3A_49 = arith.constant 5 : i32
    %get3A_50 = arith.index_cast %get3A_49 : i32 to index
    %get3A_51 = arith.constant 0 : index
    %get3A_52 = tpu.vector_load %arg6[%get3A_50, %get3A_51] {strides = array<i32>} : memref<16x128xf32, #tpu.memory_space<vmem>>, vector<16xf32>,
    %add3A_53 = arith.addf %add3A_48, %get3A_52 : vector<16xf32>
    %get3A_54 = arith.constant 6 : i32
    %get3A_55 = arith.index_cast %get3A_54 : i32 to index
    %get3A_56 = arith.constant 0 : index
    %get3A_57 = tpu.vector_load %arg6[%get3A_55, %get3A_56] {strides = array<i32>} : memref<16x128xf32, #tpu.memory_space<vmem>>, vector<16xf32>,
    %add3A_58 = arith.addf %add3A_53, %get3A_57 : vector<16xf32>
    %get3A_59 = arith.constant 7 : i32
    %get3A_60 = arith.index_cast %get3A_59 : i32 to index
    %get3A_61 = arith.constant 0 : index
    %get3A_62 = tpu.vector_load %arg6[%get3A_60, %get3A_61] {strides = array<i32>} : memref<16x128xf32, #tpu.memory_space<vmem>>, vector<16xf32>,
    %add3A_63 = arith.addf %add3A_58, %get3A_62 : vector<16xf32>
    %get3A_64 = arith.constant 8 : i32
    %get3A_65 = arith.index_cast %get3A_64 : i32 to index
    %get3A_66 = arith.constant 0 : index
    %get3A_67 = tpu.vector_load %arg6[%get3A_65, %get3A_66] {strides = array<i32>} : memref<16x128xf32, #tpu.memory_space<vmem>>, vector<16xf32>,
    %add3A_68 = arith.addf %add3A_63, %get3A_67 : vector<16xf32>
    %get3A_69 = arith.constant 9 : i32
    %get3A_70 = arith.index_cast %get3A_69 : i32 to index
    %get3A_71 = arith.constant 0 : index
    %get3A_72 = tpu.vector_load %arg6[%get3A_70, %get3A_71] {strides = array<i32>} : memref<16x128xf32, #tpu.memory_space<vmem>>, vector<16xf32>,
    %add3A_73 = arith.addf %add3A_68, %get3A_72 : vector<16xf32>
    %get3A_74 = arith.constant 10 : i32
    %get3A_75 = arith.index_cast %get3A_74 : i32 to index
    %get3A_76 = arith.constant 0 : index
    %get3A_77 = tpu.vector_load %arg6[%get3A_75, %get3A_76] {strides = array<i32>} : memref<16x128xf32, #tpu.memory_space<vmem>>, vector<16xf32>,
    %add3A_78 = arith.addf %add3A_73, %get3A_77 : vector<16xf32>
    %get3A_79 = arith.constant 11 : i32
    %get3A_80 = arith.index_cast %get3A_79 : i32 to index
    %get3A_81 = arith.constant 0 : index
    %get3A_82 = tpu.vector_load %arg6[%get3A_80, %get3A_81] {strides = array<i32>} : memref<16x128xf32, #tpu.memory_space<vmem>>, vector<16xf32>,
    %add3A_83 = arith.addf %add3A_78, %get3A_82 : vector<16xf32>
    %get3A_84 = arith.constant 12 : i32
    %get3A_85 = arith.index_cast %get3A_84 : i32 to index
    %get3A_86 = arith.constant 0 : index
    %get3A_87 = tpu.vector_load %arg6[%get3A_85, %get3A_86] {strides = array<i32>} : memref<16x128xf32, #tpu.memory_space<vmem>>, vector<16xf32>,
    %add3A_88 = arith.addf %add3A_83, %get3A_87 : vector<16xf32>
    %get3A_89 = arith.constant 13 : i32
    %get3A_90 = arith.index_cast %get3A_89 : i32 to index
    %get3A_91 = arith.constant 0 : index
    %get3A_92 = tpu.vector_load %arg6[%get3A_90, %get3A_91] {strides = array<i32>} : memref<16x128xf32, #tpu.memory_space<vmem>>, vector<16xf32>,
    %add3A_93 = arith.addf %add3A_88, %get3A_92 : vector<16xf32>
    %get3A_94 = arith.constant 14 : i32
    %get3A_95 = arith.index_cast %get3A_94 : i32 to index
    %get3A_96 = arith.constant 0 : index
    %get3A_97 = tpu.vector_load %arg6[%get3A_95, %get3A_96] {strides = array<i32>} : memref<16x128xf32, #tpu.memory_space<vmem>>, vector<16xf32>,
    %add3A_98 = arith.addf %add3A_93, %get3A_97 : vector<16xf32>
    %get3A_99 = arith.constant 15 : i32
    %get3A_100 = arith.index_cast %get3A_99 : i32 to index
    %get3A_101 = arith.constant 0 : index
    %get3A_102 = tpu.vector_load %arg6[%get3A_100, %get3A_101] {strides = array<i32>} : memref<16x128xf32, #tpu.memory_space<vmem>>, vector<16xf32>,
    %add3A_103 = arith.addf %add3A_98, %get3A_102 : vector<16xf32>
    %gt3A = arith.constant 0.000000e+00 : f32
    %gt3A_104 = vector.broadcast %gt3A : f32 to vector<16xf32>
    %gt3A_105 = arith.cmpf ogt, %add3A_103, %gt3A_104 : vector<16xf32>
    %jit3A_106 = arith.constant 1.000000e+00 : f32
    %jit3A_107 = arith.constant 0.000000e+00 : f32
    %broadcast_in_dim3A_108 = vector.broadcast %jit3A_106 : f32 to vector<16xf32>
    %broadcast_in_dim3A_109 = vector.broadcast %jit3A_107 : f32 to vector<16xf32>
    %select_n3A_110 = arith.select %gt3A_105, %broadcast_in_dim3A_108, %broadcast_in_dim3A_109 : vector<16xi1>, vector<16xf32>
    %swap3A = arith.constant 0 : index
    %swap3A_111 = tpu.vector_load %arg7[%swap3A] {strides = array<i32>} : memref<128xf32, #tpu.memory_space<vmem>>, vector<16xf32>,
    tpu.vector_store %arg7[%swap3A], %select_n3A_110 {strides = array<i32>} : memref<128xf32, #tpu.memory_space<vmem>>, vector<16xf32>,
    %get3A_112 = arith.constant 0 : i32
    %get3A_113 = arith.index_cast %get3A_112 : i32 to index
    %get3A_114 = arith.constant 16 : index
    %get3A_115 = tpu.vector_load %arg6[%get3A_113, %get3A_114] {strides = array<i32>} : memref<16x128xf32, #tpu.memory_space<vmem>>, vector<16xf32>,
    %get3A_116 = arith.constant 1 : i32
    %get3A_117 = arith.index_cast %get3A_116 : i32 to index
    %get3A_118 = arith.constant 16 : index
    %get3A_119 = tpu.vector_load %arg6[%get3A_117, %get3A_118] {strides = array<i32>} : memref<16x128xf32, #tpu.memory_space<vmem>>, vector<16xf32>,
    %add3A_120 = arith.addf %get3A_115, %get3A_119 : vector<16xf32>
    %get3A_121 = arith.constant 2 : i32
    %get3A_122 = arith.index_cast %get3A_121 : i32 to index
    %get3A_123 = arith.constant 16 : index
    %get3A_124 = tpu.vector_load %arg6[%get3A_122, %get3A_123] {strides = array<i32>} : memref<16x128xf32, #tpu.memory_space<vmem>>, vector<16xf32>,
    %add3A_125 = arith.addf %add3A_120, %get3A_124 : vector<16xf32>
    %get3A_126 = arith.constant 3 : i32
    %get3A_127 = arith.index_cast %get3A_126 : i32 to index
    %get3A_128 = arith.constant 16 : index
    %get3A_129 = tpu.vector_load %arg6[%get3A_127, %get3A_128] {strides = array<i32>} : memref<16x128xf32, #tpu.memory_space<vmem>>, vector<16xf32>,
    %add3A_130 = arith.addf %add3A_125, %get3A_129 : vector<16xf32>
    %get3A_131 = arith.constant 4 : i32
    %get3A_132 = arith.index_cast %get3A_131 : i32 to index
    %get3A_133 = arith.constant 16 : index
    %get3A_134 = tpu.vector_load %arg6[%get3A_132, %get3A_133] {strides = array<i32>} : memref<16x128xf32, #tpu.memory_space<vmem>>, vector<16xf32>,
    %add3A_135 = arith.addf %add3A_130, %get3A_134 : vector<16xf32>
    %get3A_136 = arith.constant 5 : i32
    %get3A_137 = arith.index_cast %get3A_136 : i32 to index
    %get3A_138 = arith.constant 16 : index
    %get3A_139 = tpu.vector_load %arg6[%get3A_137, %get3A_138] {strides = array<i32>} : memref<16x128xf32, #tpu.memory_space<vmem>>, vector<16xf32>,
    %add3A_140 = arith.addf %add3A_135, %get3A_139 : vector<16xf32>
    %get3A_141 = arith.constant 6 : i32
    %get3A_142 = arith.index_cast %get3A_141 : i32 to index
    %get3A_143 = arith.constant 16 : index
    %get3A_144 = tpu.vector_load %arg6[%get3A_142, %get3A_143] {strides = array<i32>} : memref<16x128xf32, #tpu.memory_space<vmem>>, vector<16xf32>,
    %add3A_145 = arith.addf %add3A_140, %get3A_144 : vector<16xf32>
    %get3A_146 = arith.constant 7 : i32
    %get3A_147 = arith.index_cast %get3A_146 : i32 to index
    %get3A_148 = arith.constant 16 : index
    %get3A_149 = tpu.vector_load %arg6[%get3A_147, %get3A_148] {strides = array<i32>} : memref<16x128xf32, #tpu.memory_space<vmem>>, vector<16xf32>,
    %add3A_150 = arith.addf %add3A_145, %get3A_149 : vector<16xf32>
    %get3A_151 = arith.constant 8 : i32
    %get3A_152 = arith.index_cast %get3A_151 : i32 to index
    %get3A_153 = arith.constant 16 : index
    %get3A_154 = tpu.vector_load %arg6[%get3A_152, %get3A_153] {strides = array<i32>} : memref<16x128xf32, #tpu.memory_space<vmem>>, vector<16xf32>,
    %add3A_155 = arith.addf %add3A_150, %get3A_154 : vector<16xf32>
    %get3A_156 = arith.constant 9 : i32
    %get3A_157 = arith.index_cast %get3A_156 : i32 to index
    %get3A_158 = arith.constant 16 : index
    %get3A_159 = tpu.vector_load %arg6[%get3A_157, %get3A_158] {strides = array<i32>} : memref<16x128xf32, #tpu.memory_space<vmem>>, vector<16xf32>,
    %add3A_160 = arith.addf %add3A_155, %get3A_159 : vector<16xf32>
    %get3A_161 = arith.constant 10 : i32
    %get3A_162 = arith.index_cast %get3A_161 : i32 to index
    %get3A_163 = arith.constant 16 : index
    %get3A_164 = tpu.vector_load %arg6[%get3A_162, %get3A_163] {strides = array<i32>} : memref<16x128xf32, #tpu.memory_space<vmem>>, vector<16xf32>,
    %add3A_165 = arith.addf %add3A_160, %get3A_164 : vector<16xf32>
    %get3A_166 = arith.constant 11 : i32
    %get3A_167 = arith.index_cast %get3A_166 : i32 to index
    %get3A_168 = arith.constant 16 : index
    %get3A_169 = tpu.vector_load %arg6[%get3A_167, %get3A_168] {strides = array<i32>} : memref<16x128xf32, #tpu.memory_space<vmem>>, vector<16xf32>,
    %add3A_170 = arith.addf %add3A_165, %get3A_169 : vector<16xf32>
    %get3A_171 = arith.constant 12 : i32
    %get3A_172 = arith.index_cast %get3A_171 : i32 to index
    %get3A_173 = arith.constant 16 : index
    %get3A_174 = tpu.vector_load %arg6[%get3A_172, %get3A_173] {strides = array<i32>} : memref<16x128xf32, #tpu.memory_space<vmem>>, vector<16xf32>,
    %add3A_175 = arith.addf %add3A_170, %get3A_174 : vector<16xf32>
    %get3A_176 = arith.constant 13 : i32
    %get3A_177 = arith.index_cast %get3A_176 : i32 to index
    %get3A_178 = arith.constant 16 : index
    %get3A_179 = tpu.vector_load %arg6[%get3A_177, %get3A_178] {strides = array<i32>} : memref<16x128xf32, #tpu.memory_space<vmem>>, vector<16xf32>,
    %add3A_180 = arith.addf %add3A_175, %get3A_179 : vector<16xf32>
    %get3A_181 = arith.constant 14 : i32
    %get3A_182 = arith.index_cast %get3A_181 : i32 to index
    %get3A_183 = arith.constant 16 : index
    %get3A_184 = tpu.vector_load %arg6[%get3A_182, %get3A_183] {strides = array<i32>} : memref<16x128xf32, #tpu.memory_space<vmem>>, vector<16xf32>,
    %add3A_185 = arith.addf %add3A_180, %get3A_184 : vector<16xf32>
    %get3A_186 = arith.constant 15 : i32
    %get3A_187 = arith.index_cast %get3A_186 : i32 to index
    %get3A_188 = arith.constant 16 : index
    %get3A_189 = tpu.vector_load %arg6[%get3A_187, %get3A_188] {strides = array<i32>} : memref<16x128xf32, #tpu.memory_space<vmem>>, vector<16xf32>,
    %add3A_190 = arith.addf %add3A_185, %get3A_189 : vector<16xf32>
    %gt3A_191 = arith.constant 0.000000e+00 : f32
    %gt3A_192 = vector.broadcast %gt3A_191 : f32 to vector<16xf32>
    %gt3A_193 = arith.cmpf ogt, %add3A_190, %gt3A_192 : vector<16xf32>
    %jit3A_194 = arith.constant 1.000000e+00 : f32
    %jit3A_195 = arith.constant 0.000000e+00 : f32
    %broadcast_in_dim3A_196 = vector.broadcast %jit3A_194 : f32 to vector<16xf32>
    %broadcast_in_dim3A_197 = vector.broadcast %jit3A_195 : f32 to vector<16xf32>
    %select_n3A_198 = arith.select %gt3A_193, %broadcast_in_dim3A_196, %broadcast_in_dim3A_197 : vector<16xi1>, vector<16xf32>
    %swap3A_199 = arith.constant 16 : index
    %swap3A_200 = tpu.vector_load %arg7[%swap3A_199] {strides = array<i32>} : memref<128xf32, #tpu.memory_space<vmem>>, vector<16xf32>,
    tpu.vector_store %arg7[%swap3A_199], %select_n3A_198 {strides = array<i32>} : memref<128xf32, #tpu.memory_space<vmem>>, vector<16xf32>,
    %get3A_201 = arith.constant 0 : i32
    %get3A_202 = arith.index_cast %get3A_201 : i32 to index
    %get3A_203 = arith.constant 32 : index
    %get3A_204 = tpu.vector_load %arg6[%get3A_202, %get3A_203] {strides = array<i32>} : memref<16x128xf32, #tpu.memory_space<vmem>>, vector<16xf32>,
    %get3A_205 = arith.constant 1 : i32
    %get3A_206 = arith.index_cast %get3A_205 : i32 to index
    %get3A_207 = arith.constant 32 : index
    %get3A_208 = tpu.vector_load %arg6[%get3A_206, %get3A_207] {strides = array<i32>} : memref<16x128xf32, #tpu.memory_space<vmem>>, vector<16xf32>,
    %add3A_209 = arith.addf %get3A_204, %get3A_208 : vector<16xf32>
    %get3A_210 = arith.constant 2 : i32
    %get3A_211 = arith.index_cast %get3A_210 : i32 to index
    %get3A_212 = arith.constant 32 : index
    %get3A_213 = tpu.vector_load %arg6[%get3A_211, %get3A_212] {strides = array<i32>} : memref<16x128xf32, #tpu.memory_space<vmem>>, vector<16xf32>,
    %add3A_214 = arith.addf %add3A_209, %get3A_213 : vector<16xf32>
    %get3A_215 = arith.constant 3 : i32
    %get3A_216 = arith.index_cast %get3A_215 : i32 to index
    %get3A_217 = arith.constant 32 : index
    %get3A_218 = tpu.vector_load %arg6[%get3A_216, %get3A_217] {strides = array<i32>} : memref<16x128xf32, #tpu.memory_space<vmem>>, vector<16xf32>,
    %add3A_219 = arith.addf %add3A_214, %get3A_218 : vector<16xf32>
    %get3A_220 = arith.constant 4 : i32
    %get3A_221 = arith.index_cast %get3A_220 : i32 to index
    %get3A_222 = arith.constant 32 : index
    %get3A_223 = tpu.vector_load %arg6[%get3A_221, %get3A_222] {strides = array<i32>} : memref<16x128xf32, #tpu.memory_space<vmem>>, vector<16xf32>,
    %add3A_224 = arith.addf %add3A_219, %get3A_223 : vector<16xf32>
    %get3A_225 = arith.constant 5 : i32
    %get3A_226 = arith.index_cast %get3A_225 : i32 to index
    %get3A_227 = arith.constant 32 : index
    %get3A_228 = tpu.vector_load %arg6[%get3A_226, %get3A_227] {strides = array<i32>} : memref<16x128xf32, #tpu.memory_space<vmem>>, vector<16xf32>,
    %add3A_229 = arith.addf %add3A_224, %get3A_228 : vector<16xf32>
    %get3A_230 = arith.constant 6 : i32
    %get3A_231 = arith.index_cast %get3A_230 : i32 to index
    %get3A_232 = arith.constant 32 : index
    %get3A_233 = tpu.vector_load %arg6[%get3A_231, %get3A_232] {strides = array<i32>} : memref<16x128xf32, #tpu.memory_space<vmem>>, vector<16xf32>,
    %add3A_234 = arith.addf %add3A_229, %get3A_233 : vector<16xf32>
    %get3A_235 = arith.constant 7 : i32
    %get3A_236 = arith.index_cast %get3A_235 : i32 to index
    %get3A_237 = arith.constant 32 : index
    %get3A_238 = tpu.vector_load %arg6[%get3A_236, %get3A_237] {strides = array<i32>} : memref<16x128xf32, #tpu.memory_space<vmem>>, vector<16xf32>,
    %add3A_239 = arith.addf %add3A_234, %get3A_238 : vector<16xf32>
    %get3A_240 = arith.constant 8 : i32
    %get3A_241 = arith.index_cast %get3A_240 : i32 to index
    %get3A_242 = arith.constant 32 : index
    %get3A_243 = tpu.vector_load %arg6[%get3A_241, %get3A_242] {strides = array<i32>} : memref<16x128xf32, #tpu.memory_space<vmem>>, vector<16xf32>,
    %add3A_244 = arith.addf %add3A_239, %get3A_243 : vector<16xf32>
    %get3A_245 = arith.constant 9 : i32
    %get3A_246 = arith.index_cast %get3A_245 : i32 to index
    %get3A_247 = arith.constant 32 : index
    %get3A_248 = tpu.vector_load %arg6[%get3A_246, %get3A_247] {strides = array<i32>} : memref<16x128xf32, #tpu.memory_space<vmem>>, vector<16xf32>,
    %add3A_249 = arith.addf %add3A_244, %get3A_248 : vector<16xf32>
    %get3A_250 = arith.constant 10 : i32
    %get3A_251 = arith.index_cast %get3A_250 : i32 to index
    %get3A_252 = arith.constant 32 : index
    %get3A_253 = tpu.vector_load %arg6[%get3A_251, %get3A_252] {strides = array<i32>} : memref<16x128xf32, #tpu.memory_space<vmem>>, vector<16xf32>,
    %add3A_254 = arith.addf %add3A_249, %get3A_253 : vector<16xf32>
    %get3A_255 = arith.constant 11 : i32
    %get3A_256 = arith.index_cast %get3A_255 : i32 to index
    %get3A_257 = arith.constant 32 : index
    %get3A_258 = tpu.vector_load %arg6[%get3A_256, %get3A_257] {strides = array<i32>} : memref<16x128xf32, #tpu.memory_space<vmem>>, vector<16xf32>,
    %add3A_259 = arith.addf %add3A_254, %get3A_258 : vector<16xf32>
    %get3A_260 = arith.constant 12 : i32
    %get3A_261 = arith.index_cast %get3A_260 : i32 to index
    %get3A_262 = arith.constant 32 : index
    %get3A_263 = tpu.vector_load %arg6[%get3A_261, %get3A_262] {strides = array<i32>} : memref<16x128xf32, #tpu.memory_space<vmem>>, vector<16xf32>,
    %add3A_264 = arith.addf %add3A_259, %get3A_263 : vector<16xf32>
    %get3A_265 = arith.constant 13 : i32
    %get3A_266 = arith.index_cast %get3A_265 : i32 to index
    %get3A_267 = arith.constant 32 : index
    %get3A_268 = tpu.vector_load %arg6[%get3A_266, %get3A_267] {strides = array<i32>} : memref<16x128xf32, #tpu.memory_space<vmem>>, vector<16xf32>,
    %add3A_269 = arith.addf %add3A_264, %get3A_268 : vector<16xf32>
    %get3A_270 = arith.constant 14 : i32
    %get3A_271 = arith.index_cast %get3A_270 : i32 to index
    %get3A_272 = arith.constant 32 : index
    %get3A_273 = tpu.vector_load %arg6[%get3A_271, %get3A_272] {strides = array<i32>} : memref<16x128xf32, #tpu.memory_space<vmem>>, vector<16xf32>,
    %add3A_274 = arith.addf %add3A_269, %get3A_273 : vector<16xf32>
    %get3A_275 = arith.constant 15 : i32
    %get3A_276 = arith.index_cast %get3A_275 : i32 to index
    %get3A_277 = arith.constant 32 : index
    %get3A_278 = tpu.vector_load %arg6[%get3A_276, %get3A_277] {strides = array<i32>} : memref<16x128xf32, #tpu.memory_space<vmem>>, vector<16xf32>,
    %add3A_279 = arith.addf %add3A_274, %get3A_278 : vector<16xf32>
    %gt3A_280 = arith.constant 0.000000e+00 : f32
    %gt3A_281 = vector.broadcast %gt3A_280 : f32 to vector<16xf32>
    %gt3A_282 = arith.cmpf ogt, %add3A_279, %gt3A_281 : vector<16xf32>
    %jit3A_283 = arith.constant 1.000000e+00 : f32
    %jit3A_284 = arith.constant 0.000000e+00 : f32
    %broadcast_in_dim3A_285 = vector.broadcast %jit3A_283 : f32 to vector<16xf32>
    %broadcast_in_dim3A_286 = vector.broadcast %jit3A_284 : f32 to vector<16xf32>
    %select_n3A_287 = arith.select %gt3A_282, %broadcast_in_dim3A_285, %broadcast_in_dim3A_286 : vector<16xi1>, vector<16xf32>
    %swap3A_288 = arith.constant 32 : index
    %swap3A_289 = tpu.vector_load %arg7[%swap3A_288] {strides = array<i32>} : memref<128xf32, #tpu.memory_space<vmem>>, vector<16xf32>,
    tpu.vector_store %arg7[%swap3A_288], %select_n3A_287 {strides = array<i32>} : memref<128xf32, #tpu.memory_space<vmem>>, vector<16xf32>,
    %get3A_290 = arith.constant 0 : i32
    %get3A_291 = arith.index_cast %get3A_290 : i32 to index
    %get3A_292 = arith.constant 48 : index
    %get3A_293 = tpu.vector_load %arg6[%get3A_291, %get3A_292] {strides = array<i32>} : memref<16x128xf32, #tpu.memory_space<vmem>>, vector<16xf32>,
    %get3A_294 = arith.constant 1 : i32
    %get3A_295 = arith.index_cast %get3A_294 : i32 to index
    %get3A_296 = arith.constant 48 : index
    %get3A_297 = tpu.vector_load %arg6[%get3A_295, %get3A_296] {strides = array<i32>} : memref<16x128xf32, #tpu.memory_space<vmem>>, vector<16xf32>,
    %add3A_298 = arith.addf %get3A_293, %get3A_297 : vector<16xf32>
    %get3A_299 = arith.constant 2 : i32
    %get3A_300 = arith.index_cast %get3A_299 : i32 to index
    %get3A_301 = arith.constant 48 : index
    %get3A_302 = tpu.vector_load %arg6[%get3A_300, %get3A_301] {strides = array<i32>} : memref<16x128xf32, #tpu.memory_space<vmem>>, vector<16xf32>,
    %add3A_303 = arith.addf %add3A_298, %get3A_302 : vector<16xf32>
    %get3A_304 = arith.constant 3 : i32
    %get3A_305 = arith.index_cast %get3A_304 : i32 to index
    %get3A_306 = arith.constant 48 : index
    %get3A_307 = tpu.vector_load %arg6[%get3A_305, %get3A_306] {strides = array<i32>} : memref<16x128xf32, #tpu.memory_space<vmem>>, vector<16xf32>,
    %add3A_308 = arith.addf %add3A_303, %get3A_307 : vector<16xf32>
    %get3A_309 = arith.constant 4 : i32
    %get3A_310 = arith.index_cast %get3A_309 : i32 to index
    %get3A_311 = arith.constant 48 : index
    %get3A_312 = tpu.vector_load %arg6[%get3A_310, %get3A_311] {strides = array<i32>} : memref<16x128xf32, #tpu.memory_space<vmem>>, vector<16xf32>,
    %add3A_313 = arith.addf %add3A_308, %get3A_312 : vector<16xf32>
    %get3A_314 = arith.constant 5 : i32
    %get3A_315 = arith.index_cast %get3A_314 : i32 to index
    %get3A_316 = arith.constant 48 : index
    %get3A_317 = tpu.vector_load %arg6[%get3A_315, %get3A_316] {strides = array<i32>} : memref<16x128xf32, #tpu.memory_space<vmem>>, vector<16xf32>,
    %add3A_318 = arith.addf %add3A_313, %get3A_317 : vector<16xf32>
    %get3A_319 = arith.constant 6 : i32
    %get3A_320 = arith.index_cast %get3A_319 : i32 to index
    %get3A_321 = arith.constant 48 : index
    %get3A_322 = tpu.vector_load %arg6[%get3A_320, %get3A_321] {strides = array<i32>} : memref<16x128xf32, #tpu.memory_space<vmem>>, vector<16xf32>,
    %add3A_323 = arith.addf %add3A_318, %get3A_322 : vector<16xf32>
    %get3A_324 = arith.constant 7 : i32
    %get3A_325 = arith.index_cast %get3A_324 : i32 to index
    %get3A_326 = arith.constant 48 : index
    %get3A_327 = tpu.vector_load %arg6[%get3A_325, %get3A_326] {strides = array<i32>} : memref<16x128xf32, #tpu.memory_space<vmem>>, vector<16xf32>,
    %add3A_328 = arith.addf %add3A_323, %get3A_327 : vector<16xf32>
    %get3A_329 = arith.constant 8 : i32
    %get3A_330 = arith.index_cast %get3A_329 : i32 to index
    %get3A_331 = arith.constant 48 : index
    %get3A_332 = tpu.vector_load %arg6[%get3A_330, %get3A_331] {strides = array<i32>} : memref<16x128xf32, #tpu.memory_space<vmem>>, vector<16xf32>,
    %add3A_333 = arith.addf %add3A_328, %get3A_332 : vector<16xf32>
    %get3A_334 = arith.constant 9 : i32
    %get3A_335 = arith.index_cast %get3A_334 : i32 to index
    %get3A_336 = arith.constant 48 : index
    %get3A_337 = tpu.vector_load %arg6[%get3A_335, %get3A_336] {strides = array<i32>} : memref<16x128xf32, #tpu.memory_space<vmem>>, vector<16xf32>,
    %add3A_338 = arith.addf %add3A_333, %get3A_337 : vector<16xf32>
    %get3A_339 = arith.constant 10 : i32
    %get3A_340 = arith.index_cast %get3A_339 : i32 to index
    %get3A_341 = arith.constant 48 : index
    %get3A_342 = tpu.vector_load %arg6[%get3A_340, %get3A_341] {strides = array<i32>} : memref<16x128xf32, #tpu.memory_space<vmem>>, vector<16xf32>,
    %add3A_343 = arith.addf %add3A_338, %get3A_342 : vector<16xf32>
    %get3A_344 = arith.constant 11 : i32
    %get3A_345 = arith.index_cast %get3A_344 : i32 to index
    %get3A_346 = arith.constant 48 : index
    %get3A_347 = tpu.vector_load %arg6[%get3A_345, %get3A_346] {strides = array<i32>} : memref<16x128xf32, #tpu.memory_space<vmem>>, vector<16xf32>,
    %add3A_348 = arith.addf %add3A_343, %get3A_347 : vector<16xf32>
    %get3A_349 = arith.constant 12 : i32
    %get3A_350 = arith.index_cast %get3A_349 : i32 to index
    %get3A_351 = arith.constant 48 : index
    %get3A_352 = tpu.vector_load %arg6[%get3A_350, %get3A_351] {strides = array<i32>} : memref<16x128xf32, #tpu.memory_space<vmem>>, vector<16xf32>,
    %add3A_353 = arith.addf %add3A_348, %get3A_352 : vector<16xf32>
    %get3A_354 = arith.constant 13 : i32
    %get3A_355 = arith.index_cast %get3A_354 : i32 to index
    %get3A_356 = arith.constant 48 : index
    %get3A_357 = tpu.vector_load %arg6[%get3A_355, %get3A_356] {strides = array<i32>} : memref<16x128xf32, #tpu.memory_space<vmem>>, vector<16xf32>,
    %add3A_358 = arith.addf %add3A_353, %get3A_357 : vector<16xf32>
    %get3A_359 = arith.constant 14 : i32
    %get3A_360 = arith.index_cast %get3A_359 : i32 to index
    %get3A_361 = arith.constant 48 : index
    %get3A_362 = tpu.vector_load %arg6[%get3A_360, %get3A_361] {strides = array<i32>} : memref<16x128xf32, #tpu.memory_space<vmem>>, vector<16xf32>,
    %add3A_363 = arith.addf %add3A_358, %get3A_362 : vector<16xf32>
    %get3A_364 = arith.constant 15 : i32
    %get3A_365 = arith.index_cast %get3A_364 : i32 to index
    %get3A_366 = arith.constant 48 : index
    %get3A_367 = tpu.vector_load %arg6[%get3A_365, %get3A_366] {strides = array<i32>} : memref<16x128xf32, #tpu.memory_space<vmem>>, vector<16xf32>,
    %add3A_368 = arith.addf %add3A_363, %get3A_367 : vector<16xf32>
    %gt3A_369 = arith.constant 0.000000e+00 : f32
    %gt3A_370 = vector.broadcast %gt3A_369 : f32 to vector<16xf32>
    %gt3A_371 = arith.cmpf ogt, %add3A_368, %gt3A_370 : vector<16xf32>
    %jit3A_372 = arith.constant 1.000000e+00 : f32
    %jit3A_373 = arith.constant 0.000000e+00 : f32
    %broadcast_in_dim3A_374 = vector.broadcast %jit3A_372 : f32 to vector<16xf32>
    %broadcast_in_dim3A_375 = vector.broadcast %jit3A_373 : f32 to vector<16xf32>
    %select_n3A_376 = arith.select %gt3A_371, %broadcast_in_dim3A_374, %broadcast_in_dim3A_375 : vector<16xi1>, vector<16xf32>
    %swap3A_377 = arith.constant 48 : index
    %swap3A_378 = tpu.vector_load %arg7[%swap3A_377] {strides = array<i32>} : memref<128xf32, #tpu.memory_space<vmem>>, vector<16xf32>,
    tpu.vector_store %arg7[%swap3A_377], %select_n3A_376 {strides = array<i32>} : memref<128xf32, #tpu.memory_space<vmem>>, vector<16xf32>,
    %get3A_379 = arith.constant 0 : i32
    %get3A_380 = arith.index_cast %get3A_379 : i32 to index
    %get3A_381 = arith.constant 64 : index
    %get3A_382 = tpu.vector_load %arg6[%get3A_380, %get3A_381] {strides = array<i32>} : memref<16x128xf32, #tpu.memory_space<vmem>>, vector<16xf32>,
    %get3A_383 = arith.constant 1 : i32
    %get3A_384 = arith.index_cast %get3A_383 : i32 to index
    %get3A_385 = arith.constant 64 : index
    %get3A_386 = tpu.vector_load %arg6[%get3A_384, %get3A_385] {strides = array<i32>} : memref<16x128xf32, #tpu.memory_space<vmem>>, vector<16xf32>,
    %add3A_387 = arith.addf %get3A_382, %get3A_386 : vector<16xf32>
    %get3A_388 = arith.constant 2 : i32
    %get3A_389 = arith.index_cast %get3A_388 : i32 to index
    %get3A_390 = arith.constant 64 : index
    %get3A_391 = tpu.vector_load %arg6[%get3A_389, %get3A_390] {strides = array<i32>} : memref<16x128xf32, #tpu.memory_space<vmem>>, vector<16xf32>,
    %add3A_392 = arith.addf %add3A_387, %get3A_391 : vector<16xf32>
    %get3A_393 = arith.constant 3 : i32
    %get3A_394 = arith.index_cast %get3A_393 : i32 to index
    %get3A_395 = arith.constant 64 : index
    %get3A_396 = tpu.vector_load %arg6[%get3A_394, %get3A_395] {strides = array<i32>} : memref<16x128xf32, #tpu.memory_space<vmem>>, vector<16xf32>,
    %add3A_397 = arith.addf %add3A_392, %get3A_396 : vector<16xf32>
    %get3A_398 = arith.constant 4 : i32
    %get3A_399 = arith.index_cast %get3A_398 : i32 to index
    %get3A_400 = arith.constant 64 : index
    %get3A_401 = tpu.vector_load %arg6[%get3A_399, %get3A_400] {strides = array<i32>} : memref<16x128xf32, #tpu.memory_space<vmem>>, vector<16xf32>,
    %add3A_402 = arith.addf %add3A_397, %get3A_401 : vector<16xf32>
    %get3A_403 = arith.constant 5 : i32
    %get3A_404 = arith.index_cast %get3A_403 : i32 to index
    %get3A_405 = arith.constant 64 : index
    %get3A_406 = tpu.vector_load %arg6[%get3A_404, %get3A_405] {strides = array<i32>} : memref<16x128xf32, #tpu.memory_space<vmem>>, vector<16xf32>,
    %add3A_407 = arith.addf %add3A_402, %get3A_406 : vector<16xf32>
    %get3A_408 = arith.constant 6 : i32
    %get3A_409 = arith.index_cast %get3A_408 : i32 to index
    %get3A_410 = arith.constant 64 : index
    %get3A_411 = tpu.vector_load %arg6[%get3A_409, %get3A_410] {strides = array<i32>} : memref<16x128xf32, #tpu.memory_space<vmem>>, vector<16xf32>,
    %add3A_412 = arith.addf %add3A_407, %get3A_411 : vector<16xf32>
    %get3A_413 = arith.constant 7 : i32
    %get3A_414 = arith.index_cast %get3A_413 : i32 to index
    %get3A_415 = arith.constant 64 : index
    %get3A_416 = tpu.vector_load %arg6[%get3A_414, %get3A_415] {strides = array<i32>} : memref<16x128xf32, #tpu.memory_space<vmem>>, vector<16xf32>,
    %add3A_417 = arith.addf %add3A_412, %get3A_416 : vector<16xf32>
    %get3A_418 = arith.constant 8 : i32
    %get3A_419 = arith.index_cast %get3A_418 : i32 to index
    %get3A_420 = arith.constant 64 : index
    %get3A_421 = tpu.vector_load %arg6[%get3A_419, %get3A_420] {strides = array<i32>} : memref<16x128xf32, #tpu.memory_space<vmem>>, vector<16xf32>,
    %add3A_422 = arith.addf %add3A_417, %get3A_421 : vector<16xf32>
    %get3A_423 = arith.constant 9 : i32
    %get3A_424 = arith.index_cast %get3A_423 : i32 to index
    %get3A_425 = arith.constant 64 : index
    %get3A_426 = tpu.vector_load %arg6[%get3A_424, %get3A_425] {strides = array<i32>} : memref<16x128xf32, #tpu.memory_space<vmem>>, vector<16xf32>,
    %add3A_427 = arith.addf %add3A_422, %get3A_426 : vector<16xf32>
    %get3A_428 = arith.constant 10 : i32
    %get3A_429 = arith.index_cast %get3A_428 : i32 to index
    %get3A_430 = arith.constant 64 : index
    %get3A_431 = tpu.vector_load %arg6[%get3A_429, %get3A_430] {strides = array<i32>} : memref<16x128xf32, #tpu.memory_space<vmem>>, vector<16xf32>,
    %add3A_432 = arith.addf %add3A_427, %get3A_431 : vector<16xf32>
    %get3A_433 = arith.constant 11 : i32
    %get3A_434 = arith.index_cast %get3A_433 : i32 to index
    %get3A_435 = arith.constant 64 : index
    %get3A_436 = tpu.vector_load %arg6[%get3A_434, %get3A_435] {strides = array<i32>} : memref<16x128xf32, #tpu.memory_space<vmem>>, vector<16xf32>,
    %add3A_437 = arith.addf %add3A_432, %get3A_436 : vector<16xf32>
    %get3A_438 = arith.constant 12 : i32
    %get3A_439 = arith.index_cast %get3A_438 : i32 to index
    %get3A_440 = arith.constant 64 : index
    %get3A_441 = tpu.vector_load %arg6[%get3A_439, %get3A_440] {strides = array<i32>} : memref<16x128xf32, #tpu.memory_space<vmem>>, vector<16xf32>,
    %add3A_442 = arith.addf %add3A_437, %get3A_441 : vector<16xf32>
    %get3A_443 = arith.constant 13 : i32
    %get3A_444 = arith.index_cast %get3A_443 : i32 to index
    %get3A_445 = arith.constant 64 : index
    %get3A_446 = tpu.vector_load %arg6[%get3A_444, %get3A_445] {strides = array<i32>} : memref<16x128xf32, #tpu.memory_space<vmem>>, vector<16xf32>,
    %add3A_447 = arith.addf %add3A_442, %get3A_446 : vector<16xf32>
    %get3A_448 = arith.constant 14 : i32
    %get3A_449 = arith.index_cast %get3A_448 : i32 to index
    %get3A_450 = arith.constant 64 : index
    %get3A_451 = tpu.vector_load %arg6[%get3A_449, %get3A_450] {strides = array<i32>} : memref<16x128xf32, #tpu.memory_space<vmem>>, vector<16xf32>,
    %add3A_452 = arith.addf %add3A_447, %get3A_451 : vector<16xf32>
    %get3A_453 = arith.constant 15 : i32
    %get3A_454 = arith.index_cast %get3A_453 : i32 to index
    %get3A_455 = arith.constant 64 : index
    %get3A_456 = tpu.vector_load %arg6[%get3A_454, %get3A_455] {strides = array<i32>} : memref<16x128xf32, #tpu.memory_space<vmem>>, vector<16xf32>,
    %add3A_457 = arith.addf %add3A_452, %get3A_456 : vector<16xf32>
    %gt3A_458 = arith.constant 0.000000e+00 : f32
    %gt3A_459 = vector.broadcast %gt3A_458 : f32 to vector<16xf32>
    %gt3A_460 = arith.cmpf ogt, %add3A_457, %gt3A_459 : vector<16xf32>
    %jit3A_461 = arith.constant 1.000000e+00 : f32
    %jit3A_462 = arith.constant 0.000000e+00 : f32
    %broadcast_in_dim3A_463 = vector.broadcast %jit3A_461 : f32 to vector<16xf32>
    %broadcast_in_dim3A_464 = vector.broadcast %jit3A_462 : f32 to vector<16xf32>
    %select_n3A_465 = arith.select %gt3A_460, %broadcast_in_dim3A_463, %broadcast_in_dim3A_464 : vector<16xi1>, vector<16xf32>
    %swap3A_466 = arith.constant 64 : index
    %swap3A_467 = tpu.vector_load %arg7[%swap3A_466] {strides = array<i32>} : memref<128xf32, #tpu.memory_space<vmem>>, vector<16xf32>,
    tpu.vector_store %arg7[%swap3A_466], %select_n3A_465 {strides = array<i32>} : memref<128xf32, #tpu.memory_space<vmem>>, vector<16xf32>,
    %get3A_468 = arith.constant 0 : i32
    %get3A_469 = arith.index_cast %get3A_468 : i32 to index
    %get3A_470 = arith.constant 80 : index
    %get3A_471 = tpu.vector_load %arg6[%get3A_469, %get3A_470] {strides = array<i32>} : memref<16x128xf32, #tpu.memory_space<vmem>>, vector<16xf32>,
    %get3A_472 = arith.constant 1 : i32
    %get3A_473 = arith.index_cast %get3A_472 : i32 to index
    %get3A_474 = arith.constant 80 : index
    %get3A_475 = tpu.vector_load %arg6[%get3A_473, %get3A_474] {strides = array<i32>} : memref<16x128xf32, #tpu.memory_space<vmem>>, vector<16xf32>,
    %add3A_476 = arith.addf %get3A_471, %get3A_475 : vector<16xf32>
    %get3A_477 = arith.constant 2 : i32
    %get3A_478 = arith.index_cast %get3A_477 : i32 to index
    %get3A_479 = arith.constant 80 : index
    %get3A_480 = tpu.vector_load %arg6[%get3A_478, %get3A_479] {strides = array<i32>} : memref<16x128xf32, #tpu.memory_space<vmem>>, vector<16xf32>,
    %add3A_481 = arith.addf %add3A_476, %get3A_480 : vector<16xf32>
    %get3A_482 = arith.constant 3 : i32
    %get3A_483 = arith.index_cast %get3A_482 : i32 to index
    %get3A_484 = arith.constant 80 : index
    %get3A_485 = tpu.vector_load %arg6[%get3A_483, %get3A_484] {strides = array<i32>} : memref<16x128xf32, #tpu.memory_space<vmem>>, vector<16xf32>,
    %add3A_486 = arith.addf %add3A_481, %get3A_485 : vector<16xf32>
    %get3A_487 = arith.constant 4 : i32
    %get3A_488 = arith.index_cast %get3A_487 : i32 to index
    %get3A_489 = arith.constant 80 : index
    %get3A_490 = tpu.vector_load %arg6[%get3A_488, %get3A_489] {strides = array<i32>} : memref<16x128xf32, #tpu.memory_space<vmem>>, vector<16xf32>,
    %add3A_491 = arith.addf %add3A_486, %get3A_490 : vector<16xf32>
    %get3A_492 = arith.constant 5 : i32
    %get3A_493 = arith.index_cast %get3A_492 : i32 to index
    %get3A_494 = arith.constant 80 : index
    %get3A_495 = tpu.vector_load %arg6[%get3A_493, %get3A_494] {strides = array<i32>} : memref<16x128xf32, #tpu.memory_space<vmem>>, vector<16xf32>,
    %add3A_496 = arith.addf %add3A_491, %get3A_495 : vector<16xf32>
    %get3A_497 = arith.constant 6 : i32
    %get3A_498 = arith.index_cast %get3A_497 : i32 to index
    %get3A_499 = arith.constant 80 : index
    %get3A_500 = tpu.vector_load %arg6[%get3A_498, %get3A_499] {strides = array<i32>} : memref<16x128xf32, #tpu.memory_space<vmem>>, vector<16xf32>,
    %add3A_501 = arith.addf %add3A_496, %get3A_500 : vector<16xf32>
    %get3A_502 = arith.constant 7 : i32
    %get3A_503 = arith.index_cast %get3A_502 : i32 to index
    %get3A_504 = arith.constant 80 : index
    %get3A_505 = tpu.vector_load %arg6[%get3A_503, %get3A_504] {strides = array<i32>} : memref<16x128xf32, #tpu.memory_space<vmem>>, vector<16xf32>,
    %add3A_506 = arith.addf %add3A_501, %get3A_505 : vector<16xf32>
    %get3A_507 = arith.constant 8 : i32
    %get3A_508 = arith.index_cast %get3A_507 : i32 to index
    %get3A_509 = arith.constant 80 : index
    %get3A_510 = tpu.vector_load %arg6[%get3A_508, %get3A_509] {strides = array<i32>} : memref<16x128xf32, #tpu.memory_space<vmem>>, vector<16xf32>,
    %add3A_511 = arith.addf %add3A_506, %get3A_510 : vector<16xf32>
    %get3A_512 = arith.constant 9 : i32
    %get3A_513 = arith.index_cast %get3A_512 : i32 to index
    %get3A_514 = arith.constant 80 : index
    %get3A_515 = tpu.vector_load %arg6[%get3A_513, %get3A_514] {strides = array<i32>} : memref<16x128xf32, #tpu.memory_space<vmem>>, vector<16xf32>,
    %add3A_516 = arith.addf %add3A_511, %get3A_515 : vector<16xf32>
    %get3A_517 = arith.constant 10 : i32
    %get3A_518 = arith.index_cast %get3A_517 : i32 to index
    %get3A_519 = arith.constant 80 : index
    %get3A_520 = tpu.vector_load %arg6[%get3A_518, %get3A_519] {strides = array<i32>} : memref<16x128xf32, #tpu.memory_space<vmem>>, vector<16xf32>,
    %add3A_521 = arith.addf %add3A_516, %get3A_520 : vector<16xf32>
    %get3A_522 = arith.constant 11 : i32
    %get3A_523 = arith.index_cast %get3A_522 : i32 to index
    %get3A_524 = arith.constant 80 : index
    %get3A_525 = tpu.vector_load %arg6[%get3A_523, %get3A_524] {strides = array<i32>} : memref<16x128xf32, #tpu.memory_space<vmem>>, vector<16xf32>,
    %add3A_526 = arith.addf %add3A_521, %get3A_525 : vector<16xf32>
    %get3A_527 = arith.constant 12 : i32
    %get3A_528 = arith.index_cast %get3A_527 : i32 to index
    %get3A_529 = arith.constant 80 : index
    %get3A_530 = tpu.vector_load %arg6[%get3A_528, %get3A_529] {strides = array<i32>} : memref<16x128xf32, #tpu.memory_space<vmem>>, vector<16xf32>,
    %add3A_531 = arith.addf %add3A_526, %get3A_530 : vector<16xf32>
    %get3A_532 = arith.constant 13 : i32
    %get3A_533 = arith.index_cast %get3A_532 : i32 to index
    %get3A_534 = arith.constant 80 : index
    %get3A_535 = tpu.vector_load %arg6[%get3A_533, %get3A_534] {strides = array<i32>} : memref<16x128xf32, #tpu.memory_space<vmem>>, vector<16xf32>,
    %add3A_536 = arith.addf %add3A_531, %get3A_535 : vector<16xf32>
    %get3A_537 = arith.constant 14 : i32
    %get3A_538 = arith.index_cast %get3A_537 : i32 to index
    %get3A_539 = arith.constant 80 : index
    %get3A_540 = tpu.vector_load %arg6[%get3A_538, %get3A_539] {strides = array<i32>} : memref<16x128xf32, #tpu.memory_space<vmem>>, vector<16xf32>,
    %add3A_541 = arith.addf %add3A_536, %get3A_540 : vector<16xf32>
    %get3A_542 = arith.constant 15 : i32
    %get3A_543 = arith.index_cast %get3A_542 : i32 to index
    %get3A_544 = arith.constant 80 : index
    %get3A_545 = tpu.vector_load %arg6[%get3A_543, %get3A_544] {strides = array<i32>} : memref<16x128xf32, #tpu.memory_space<vmem>>, vector<16xf32>,
    %add3A_546 = arith.addf %add3A_541, %get3A_545 : vector<16xf32>
    %gt3A_547 = arith.constant 0.000000e+00 : f32
    %gt3A_548 = vector.broadcast %gt3A_547 : f32 to vector<16xf32>
    %gt3A_549 = arith.cmpf ogt, %add3A_546, %gt3A_548 : vector<16xf32>
    %jit3A_550 = arith.constant 1.000000e+00 : f32
    %jit3A_551 = arith.constant 0.000000e+00 : f32
    %broadcast_in_dim3A_552 = vector.broadcast %jit3A_550 : f32 to vector<16xf32>
    %broadcast_in_dim3A_553 = vector.broadcast %jit3A_551 : f32 to vector<16xf32>
    %select_n3A_554 = arith.select %gt3A_549, %broadcast_in_dim3A_552, %broadcast_in_dim3A_553 : vector<16xi1>, vector<16xf32>
    %swap3A_555 = arith.constant 80 : index
    %swap3A_556 = tpu.vector_load %arg7[%swap3A_555] {strides = array<i32>} : memref<128xf32, #tpu.memory_space<vmem>>, vector<16xf32>,
    tpu.vector_store %arg7[%swap3A_555], %select_n3A_554 {strides = array<i32>} : memref<128xf32, #tpu.memory_space<vmem>>, vector<16xf32>,
    %get3A_557 = arith.constant 0 : i32
    %get3A_558 = arith.index_cast %get3A_557 : i32 to index
    %get3A_559 = arith.constant 96 : index
    %get3A_560 = tpu.vector_load %arg6[%get3A_558, %get3A_559] {strides = array<i32>} : memref<16x128xf32, #tpu.memory_space<vmem>>, vector<16xf32>,
    %get3A_561 = arith.constant 1 : i32
    %get3A_562 = arith.index_cast %get3A_561 : i32 to index
    %get3A_563 = arith.constant 96 : index
    %get3A_564 = tpu.vector_load %arg6[%get3A_562, %get3A_563] {strides = array<i32>} : memref<16x128xf32, #tpu.memory_space<vmem>>, vector<16xf32>,
    %add3A_565 = arith.addf %get3A_560, %get3A_564 : vector<16xf32>
    %get3A_566 = arith.constant 2 : i32
    %get3A_567 = arith.index_cast %get3A_566 : i32 to index
    %get3A_568 = arith.constant 96 : index
    %get3A_569 = tpu.vector_load %arg6[%get3A_567, %get3A_568] {strides = array<i32>} : memref<16x128xf32, #tpu.memory_space<vmem>>, vector<16xf32>,
    %add3A_570 = arith.addf %add3A_565, %get3A_569 : vector<16xf32>
    %get3A_571 = arith.constant 3 : i32
    %get3A_572 = arith.index_cast %get3A_571 : i32 to index
    %get3A_573 = arith.constant 96 : index
    %get3A_574 = tpu.vector_load %arg6[%get3A_572, %get3A_573] {strides = array<i32>} : memref<16x128xf32, #tpu.memory_space<vmem>>, vector<16xf32>,
    %add3A_575 = arith.addf %add3A_570, %get3A_574 : vector<16xf32>
    %get3A_576 = arith.constant 4 : i32
    %get3A_577 = arith.index_cast %get3A_576 : i32 to index
    %get3A_578 = arith.constant 96 : index
    %get3A_579 = tpu.vector_load %arg6[%get3A_577, %get3A_578] {strides = array<i32>} : memref<16x128xf32, #tpu.memory_space<vmem>>, vector<16xf32>,
    %add3A_580 = arith.addf %add3A_575, %get3A_579 : vector<16xf32>
    %get3A_581 = arith.constant 5 : i32
    %get3A_582 = arith.index_cast %get3A_581 : i32 to index
    %get3A_583 = arith.constant 96 : index
    %get3A_584 = tpu.vector_load %arg6[%get3A_582, %get3A_583] {strides = array<i32>} : memref<16x128xf32, #tpu.memory_space<vmem>>, vector<16xf32>,
    %add3A_585 = arith.addf %add3A_580, %get3A_584 : vector<16xf32>
    %get3A_586 = arith.constant 6 : i32
    %get3A_587 = arith.index_cast %get3A_586 : i32 to index
    %get3A_588 = arith.constant 96 : index
    %get3A_589 = tpu.vector_load %arg6[%get3A_587, %get3A_588] {strides = array<i32>} : memref<16x128xf32, #tpu.memory_space<vmem>>, vector<16xf32>,
    %add3A_590 = arith.addf %add3A_585, %get3A_589 : vector<16xf32>
    %get3A_591 = arith.constant 7 : i32
    %get3A_592 = arith.index_cast %get3A_591 : i32 to index
    %get3A_593 = arith.constant 96 : index
    %get3A_594 = tpu.vector_load %arg6[%get3A_592, %get3A_593] {strides = array<i32>} : memref<16x128xf32, #tpu.memory_space<vmem>>, vector<16xf32>,
    %add3A_595 = arith.addf %add3A_590, %get3A_594 : vector<16xf32>
    %get3A_596 = arith.constant 8 : i32
    %get3A_597 = arith.index_cast %get3A_596 : i32 to index
    %get3A_598 = arith.constant 96 : index
    %get3A_599 = tpu.vector_load %arg6[%get3A_597, %get3A_598] {strides = array<i32>} : memref<16x128xf32, #tpu.memory_space<vmem>>, vector<16xf32>,
    %add3A_600 = arith.addf %add3A_595, %get3A_599 : vector<16xf32>
    %get3A_601 = arith.constant 9 : i32
    %get3A_602 = arith.index_cast %get3A_601 : i32 to index
    %get3A_603 = arith.constant 96 : index
    %get3A_604 = tpu.vector_load %arg6[%get3A_602, %get3A_603] {strides = array<i32>} : memref<16x128xf32, #tpu.memory_space<vmem>>, vector<16xf32>,
    %add3A_605 = arith.addf %add3A_600, %get3A_604 : vector<16xf32>
    %get3A_606 = arith.constant 10 : i32
    %get3A_607 = arith.index_cast %get3A_606 : i32 to index
    %get3A_608 = arith.constant 96 : index
    %get3A_609 = tpu.vector_load %arg6[%get3A_607, %get3A_608] {strides = array<i32>} : memref<16x128xf32, #tpu.memory_space<vmem>>, vector<16xf32>,
    %add3A_610 = arith.addf %add3A_605, %get3A_609 : vector<16xf32>
    %get3A_611 = arith.constant 11 : i32
    %get3A_612 = arith.index_cast %get3A_611 : i32 to index
    %get3A_613 = arith.constant 96 : index
    %get3A_614 = tpu.vector_load %arg6[%get3A_612, %get3A_613] {strides = array<i32>} : memref<16x128xf32, #tpu.memory_space<vmem>>, vector<16xf32>,
    %add3A_615 = arith.addf %add3A_610, %get3A_614 : vector<16xf32>
    %get3A_616 = arith.constant 12 : i32
    %get3A_617 = arith.index_cast %get3A_616 : i32 to index
    %get3A_618 = arith.constant 96 : index
    %get3A_619 = tpu.vector_load %arg6[%get3A_617, %get3A_618] {strides = array<i32>} : memref<16x128xf32, #tpu.memory_space<vmem>>, vector<16xf32>,
    %add3A_620 = arith.addf %add3A_615, %get3A_619 : vector<16xf32>
    %get3A_621 = arith.constant 13 : i32
    %get3A_622 = arith.index_cast %get3A_621 : i32 to index
    %get3A_623 = arith.constant 96 : index
    %get3A_624 = tpu.vector_load %arg6[%get3A_622, %get3A_623] {strides = array<i32>} : memref<16x128xf32, #tpu.memory_space<vmem>>, vector<16xf32>,
    %add3A_625 = arith.addf %add3A_620, %get3A_624 : vector<16xf32>
    %get3A_626 = arith.constant 14 : i32
    %get3A_627 = arith.index_cast %get3A_626 : i32 to index
    %get3A_628 = arith.constant 96 : index
    %get3A_629 = tpu.vector_load %arg6[%get3A_627, %get3A_628] {strides = array<i32>} : memref<16x128xf32, #tpu.memory_space<vmem>>, vector<16xf32>,
    %add3A_630 = arith.addf %add3A_625, %get3A_629 : vector<16xf32>
    %get3A_631 = arith.constant 15 : i32
    %get3A_632 = arith.index_cast %get3A_631 : i32 to index
    %get3A_633 = arith.constant 96 : index
    %get3A_634 = tpu.vector_load %arg6[%get3A_632, %get3A_633] {strides = array<i32>} : memref<16x128xf32, #tpu.memory_space<vmem>>, vector<16xf32>,
    %add3A_635 = arith.addf %add3A_630, %get3A_634 : vector<16xf32>
    %gt3A_636 = arith.constant 0.000000e+00 : f32
    %gt3A_637 = vector.broadcast %gt3A_636 : f32 to vector<16xf32>
    %gt3A_638 = arith.cmpf ogt, %add3A_635, %gt3A_637 : vector<16xf32>
    %jit3A_639 = arith.constant 1.000000e+00 : f32
    %jit3A_640 = arith.constant 0.000000e+00 : f32
    %broadcast_in_dim3A_641 = vector.broadcast %jit3A_639 : f32 to vector<16xf32>
    %broadcast_in_dim3A_642 = vector.broadcast %jit3A_640 : f32 to vector<16xf32>
    %select_n3A_643 = arith.select %gt3A_638, %broadcast_in_dim3A_641, %broadcast_in_dim3A_642 : vector<16xi1>, vector<16xf32>
    %swap3A_644 = arith.constant 96 : index
    %swap3A_645 = tpu.vector_load %arg7[%swap3A_644] {strides = array<i32>} : memref<128xf32, #tpu.memory_space<vmem>>, vector<16xf32>,
    tpu.vector_store %arg7[%swap3A_644], %select_n3A_643 {strides = array<i32>} : memref<128xf32, #tpu.memory_space<vmem>>, vector<16xf32>,
    %get3A_646 = arith.constant 0 : i32
    %get3A_647 = arith.index_cast %get3A_646 : i32 to index
    %get3A_648 = arith.constant 112 : index
    %get3A_649 = tpu.vector_load %arg6[%get3A_647, %get3A_648] {strides = array<i32>} : memref<16x128xf32, #tpu.memory_space<vmem>>, vector<16xf32>,
    %get3A_650 = arith.constant 1 : i32
    %get3A_651 = arith.index_cast %get3A_650 : i32 to index
    %get3A_652 = arith.constant 112 : index
    %get3A_653 = tpu.vector_load %arg6[%get3A_651, %get3A_652] {strides = array<i32>} : memref<16x128xf32, #tpu.memory_space<vmem>>, vector<16xf32>,
    %add3A_654 = arith.addf %get3A_649, %get3A_653 : vector<16xf32>
    %get3A_655 = arith.constant 2 : i32
    %get3A_656 = arith.index_cast %get3A_655 : i32 to index
    %get3A_657 = arith.constant 112 : index
    %get3A_658 = tpu.vector_load %arg6[%get3A_656, %get3A_657] {strides = array<i32>} : memref<16x128xf32, #tpu.memory_space<vmem>>, vector<16xf32>,
    %add3A_659 = arith.addf %add3A_654, %get3A_658 : vector<16xf32>
    %get3A_660 = arith.constant 3 : i32
    %get3A_661 = arith.index_cast %get3A_660 : i32 to index
    %get3A_662 = arith.constant 112 : index
    %get3A_663 = tpu.vector_load %arg6[%get3A_661, %get3A_662] {strides = array<i32>} : memref<16x128xf32, #tpu.memory_space<vmem>>, vector<16xf32>,
    %add3A_664 = arith.addf %add3A_659, %get3A_663 : vector<16xf32>
    %get3A_665 = arith.constant 4 : i32
    %get3A_666 = arith.index_cast %get3A_665 : i32 to index
    %get3A_667 = arith.constant 112 : index
    %get3A_668 = tpu.vector_load %arg6[%get3A_666, %get3A_667] {strides = array<i32>} : memref<16x128xf32, #tpu.memory_space<vmem>>, vector<16xf32>,
    %add3A_669 = arith.addf %add3A_664, %get3A_668 : vector<16xf32>
    %get3A_670 = arith.constant 5 : i32
    %get3A_671 = arith.index_cast %get3A_670 : i32 to index
    %get3A_672 = arith.constant 112 : index
    %get3A_673 = tpu.vector_load %arg6[%get3A_671, %get3A_672] {strides = array<i32>} : memref<16x128xf32, #tpu.memory_space<vmem>>, vector<16xf32>,
    %add3A_674 = arith.addf %add3A_669, %get3A_673 : vector<16xf32>
    %get3A_675 = arith.constant 6 : i32
    %get3A_676 = arith.index_cast %get3A_675 : i32 to index
    %get3A_677 = arith.constant 112 : index
    %get3A_678 = tpu.vector_load %arg6[%get3A_676, %get3A_677] {strides = array<i32>} : memref<16x128xf32, #tpu.memory_space<vmem>>, vector<16xf32>,
    %add3A_679 = arith.addf %add3A_674, %get3A_678 : vector<16xf32>
    %get3A_680 = arith.constant 7 : i32
    %get3A_681 = arith.index_cast %get3A_680 : i32 to index
    %get3A_682 = arith.constant 112 : index
    %get3A_683 = tpu.vector_load %arg6[%get3A_681, %get3A_682] {strides = array<i32>} : memref<16x128xf32, #tpu.memory_space<vmem>>, vector<16xf32>,
    %add3A_684 = arith.addf %add3A_679, %get3A_683 : vector<16xf32>
    %get3A_685 = arith.constant 8 : i32
    %get3A_686 = arith.index_cast %get3A_685 : i32 to index
    %get3A_687 = arith.constant 112 : index
    %get3A_688 = tpu.vector_load %arg6[%get3A_686, %get3A_687] {strides = array<i32>} : memref<16x128xf32, #tpu.memory_space<vmem>>, vector<16xf32>,
    %add3A_689 = arith.addf %add3A_684, %get3A_688 : vector<16xf32>
    %get3A_690 = arith.constant 9 : i32
    %get3A_691 = arith.index_cast %get3A_690 : i32 to index
    %get3A_692 = arith.constant 112 : index
    %get3A_693 = tpu.vector_load %arg6[%get3A_691, %get3A_692] {strides = array<i32>} : memref<16x128xf32, #tpu.memory_space<vmem>>, vector<16xf32>,
    %add3A_694 = arith.addf %add3A_689, %get3A_693 : vector<16xf32>
    %get3A_695 = arith.constant 10 : i32
    %get3A_696 = arith.index_cast %get3A_695 : i32 to index
    %get3A_697 = arith.constant 112 : index
    %get3A_698 = tpu.vector_load %arg6[%get3A_696, %get3A_697] {strides = array<i32>} : memref<16x128xf32, #tpu.memory_space<vmem>>, vector<16xf32>,
    %add3A_699 = arith.addf %add3A_694, %get3A_698 : vector<16xf32>
    %get3A_700 = arith.constant 11 : i32
    %get3A_701 = arith.index_cast %get3A_700 : i32 to index
    %get3A_702 = arith.constant 112 : index
    %get3A_703 = tpu.vector_load %arg6[%get3A_701, %get3A_702] {strides = array<i32>} : memref<16x128xf32, #tpu.memory_space<vmem>>, vector<16xf32>,
    %add3A_704 = arith.addf %add3A_699, %get3A_703 : vector<16xf32>
    %get3A_705 = arith.constant 12 : i32
    %get3A_706 = arith.index_cast %get3A_705 : i32 to index
    %get3A_707 = arith.constant 112 : index
    %get3A_708 = tpu.vector_load %arg6[%get3A_706, %get3A_707] {strides = array<i32>} : memref<16x128xf32, #tpu.memory_space<vmem>>, vector<16xf32>,
    %add3A_709 = arith.addf %add3A_704, %get3A_708 : vector<16xf32>
    %get3A_710 = arith.constant 13 : i32
    %get3A_711 = arith.index_cast %get3A_710 : i32 to index
    %get3A_712 = arith.constant 112 : index
    %get3A_713 = tpu.vector_load %arg6[%get3A_711, %get3A_712] {strides = array<i32>} : memref<16x128xf32, #tpu.memory_space<vmem>>, vector<16xf32>,
    %add3A_714 = arith.addf %add3A_709, %get3A_713 : vector<16xf32>
    %get3A_715 = arith.constant 14 : i32
    %get3A_716 = arith.index_cast %get3A_715 : i32 to index
    %get3A_717 = arith.constant 112 : index
    %get3A_718 = tpu.vector_load %arg6[%get3A_716, %get3A_717] {strides = array<i32>} : memref<16x128xf32, #tpu.memory_space<vmem>>, vector<16xf32>,
    %add3A_719 = arith.addf %add3A_714, %get3A_718 : vector<16xf32>
    %get3A_720 = arith.constant 15 : i32
    %get3A_721 = arith.index_cast %get3A_720 : i32 to index
    %get3A_722 = arith.constant 112 : index
    %get3A_723 = tpu.vector_load %arg6[%get3A_721, %get3A_722] {strides = array<i32>} : memref<16x128xf32, #tpu.memory_space<vmem>>, vector<16xf32>,
    %add3A_724 = arith.addf %add3A_719, %get3A_723 : vector<16xf32>
    %gt3A_725 = arith.constant 0.000000e+00 : f32
    %gt3A_726 = vector.broadcast %gt3A_725 : f32 to vector<16xf32>
    %gt3A_727 = arith.cmpf ogt, %add3A_724, %gt3A_726 : vector<16xf32>
    %jit3A_728 = arith.constant 1.000000e+00 : f32
    %jit3A_729 = arith.constant 0.000000e+00 : f32
    %broadcast_in_dim3A_730 = vector.broadcast %jit3A_728 : f32 to vector<16xf32>
    %broadcast_in_dim3A_731 = vector.broadcast %jit3A_729 : f32 to vector<16xf32>
    %select_n3A_732 = arith.select %gt3A_727, %broadcast_in_dim3A_730, %broadcast_in_dim3A_731 : vector<16xi1>, vector<16xf32>
    %swap3A_733 = arith.constant 112 : index
    %swap3A_734 = tpu.vector_load %arg7[%swap3A_733] {strides = array<i32>} : memref<128xf32, #tpu.memory_space<vmem>>, vector<16xf32>,
    tpu.vector_store %arg7[%swap3A_733], %select_n3A_732 {strides = array<i32>} : memref<128xf32, #tpu.memory_space<vmem>>, vector<16xf32>,
    %eq3A_735 = arith.constant 0 : i32
    %eq3A_736 = arith.cmpi eq, %arg0, %eq3A_735 : i32
    %convert_element_type3A_737 = arith.extui %eq3A_736 : i1 to i32
    %cond3A_738 = arith.constant 0 : i32
    %cond3A_739 = arith.cmpi ne, %convert_element_type3A_737, %cond3A_738 : i32
    scf.if %cond3A_739 {
      %mul3A_740 = arith.constant 128 : i32
      %mul3A_741 = arith.muli %arg1, %mul3A_740 : i32
      "tpu.region"() ({
        %run_scoped3A = tpu.sem_alloc : memref<!tpu.dma_semaphore, #tpu.memory_space<semaphore_mem>>
        %dma_start3A = tpu.memref_slice %arg3[%mul3A_741] : memref<2048xf32, #tpu.memory_space<hbm>> -> memref<128xf32, #tpu.memory_space<hbm>>
        %dma_start3A_742 = tpu.memref_slice %arg3[%mul3A_741] : memref<2048xf32, #tpu.memory_space<hbm>> -> memref<128xf32, #tpu.memory_space<hbm>>
        tpu.enqueue_dma source(%arg7 : memref<128xf32, #tpu.memory_space<vmem>>) target(%dma_start3A_742 : memref<128xf32, #tpu.memory_space<hbm>>) target_semaphore(%run_scoped3A : memref<!tpu.dma_semaphore, #tpu.memory_space<semaphore_mem>>)
        %dma_wait3A = tpu.memref_slice %arg3[%mul3A_741] : memref<2048xf32, #tpu.memory_space<hbm>> -> memref<128xf32, #tpu.memory_space<hbm>>
        %dma_wait3A_743 = tpu.memref_slice %arg3[%mul3A_741] : memref<2048xf32, #tpu.memory_space<hbm>> -> memref<128xf32, #tpu.memory_space<hbm>>
        tpu.wait_dma2 semaphore(%run_scoped3A : memref<!tpu.dma_semaphore, #tpu.memory_space<semaphore_mem>>) src(%arg7 : memref<128xf32, #tpu.memory_space<vmem>>) dst(%dma_wait3A_743 : memref<128xf32, #tpu.memory_space<hbm>>)
        tpu.yield
      }) : () -> ()
    } else {
    }
    return
  }
}

module attributes {stable_mosaic.version = 14 : i64} {
  func.func @_gru_body(%arg0: memref<2000x128xf32, #tpu.memory_space<vmem>>, %arg1: memref<2048xf32, #tpu.memory_space<vmem>>, %arg2: memref<128x128xf32, #tpu.memory_space<vmem>>, %arg3: memref<128xf32, #tpu.memory_space<vmem>>, %arg4: memref<384x128xf32, #tpu.memory_space<vmem>>, %arg5: memref<384x128xf32, #tpu.memory_space<vmem>>, %arg6: memref<384xf32, #tpu.memory_space<vmem>>, %arg7: memref<384xf32, #tpu.memory_space<vmem>>, %arg8: memref<128x128xf32, #tpu.memory_space<vmem>>, %arg9: memref<128xf32, #tpu.memory_space<vmem>>, %arg10: memref<384x128xf32, #tpu.memory_space<vmem>>, %arg11: memref<384x128xf32, #tpu.memory_space<vmem>>, %arg12: memref<384xf32, #tpu.memory_space<vmem>>, %arg13: memref<384xf32, #tpu.memory_space<vmem>>, %arg14: memref<2000x128xf32, #tpu.memory_space<vmem>>) attributes {dimension_semantics = [], scalar_prefetch = 0 : i64, scratch_operands = 0 : i64, tpu.core_type = #tpu.core_type<tc>} {
    %get3A = arith.constant 0 : index
    %get3A_0 = arith.constant 0 : index
    %get3A_1 = vector.load %arg0[%get3A, %get3A_0] : memref<2000x128xf32, #tpu.memory_space<vmem>>, vector<2000x128xf32>
    %get3A_2 = arith.constant 0 : index
    %get3A_3 = vector.load %arg1[%get3A_2] : memref<2048xf32, #tpu.memory_space<vmem>>, vector<2048xf32>
    %reshape3A = vector.shape_cast %get3A_3 : vector<2048xf32> to vector<2048x1xf32>
    %slice3A = vector.extract_strided_slice %reshape3A {offsets = [0, 0], sizes = [2000, 1], strides = [1, 1]} : vector<2048x1xf32> to vector<2000x1xf32>
    %get3A_4 = arith.constant 0 : index
    %get3A_5 = arith.constant 0 : index
    %get3A_6 = vector.load %arg2[%get3A_4, %get3A_5] : memref<128x128xf32, #tpu.memory_space<vmem>>, vector<128x128xf32>
    %get3A_7 = arith.constant 0 : index
    %get3A_8 = vector.load %arg3[%get3A_7] : memref<128xf32, #tpu.memory_space<vmem>>, vector<128xf32>
    %get3A_9 = arith.constant 0 : index
    %get3A_10 = arith.constant 0 : index
    %get3A_11 = vector.load %arg4[%get3A_9, %get3A_10] : memref<384x128xf32, #tpu.memory_space<vmem>>, vector<384x128xf32>
    %get3A_12 = arith.constant 0 : index
    %get3A_13 = arith.constant 0 : index
    %get3A_14 = vector.load %arg5[%get3A_12, %get3A_13] : memref<384x128xf32, #tpu.memory_space<vmem>>, vector<384x128xf32>
    %get3A_15 = arith.constant 0 : index
    %get3A_16 = vector.load %arg6[%get3A_15] : memref<384xf32, #tpu.memory_space<vmem>>, vector<384xf32>
    %get3A_17 = arith.constant 0 : index
    %get3A_18 = vector.load %arg7[%get3A_17] : memref<384xf32, #tpu.memory_space<vmem>>, vector<384xf32>
    %dot_general3A = arith.constant dense<0.000000e+00> : vector<2000x128xf32>
    %dot_general3A_19 = tpu.matmul %get3A_1, %get3A_6, %dot_general3A {dimension_numbers = #tpu.dot_dimension_numbers<[1], [1], [0], [0], [0, 0, 1, 0], [], []>, transpose_lhs_hint = false} : vector<2000x128xf32>, vector<128x128xf32>, vector<2000x128xf32> -> vector<2000x128xf32>
    %broadcast_in_dim3A = vector.shape_cast %get3A_8 : vector<128xf32> to vector<1x128xf32>
    %add3A = vector.broadcast %broadcast_in_dim3A : vector<1x128xf32> to vector<2000x128xf32>
    %add3A_20 = arith.addf %dot_general3A_19, %add3A : vector<2000x128xf32>
    %mul3A = vector.broadcast %slice3A : vector<2000x1xf32> to vector<2000x128xf32>
    %mul3A_21 = arith.mulf %add3A_20, %mul3A : vector<2000x128xf32>
    %gt3A = arith.constant 0.000000e+00 : f32
    %gt3A_22 = vector.broadcast %gt3A : f32 to vector<2000x128xf32>
    %gt3A_23 = arith.cmpf ogt, %mul3A_21, %gt3A_22 : vector<2000x128xf32>
    %min3A = arith.constant 0.000000e+00 : f32
    %min3A_24 = vector.broadcast %min3A : f32 to vector<2000x128xf32>
    %min3A_25 = arith.minimumf %mul3A_21, %min3A_24 : vector<2000x128xf32>
    %exp3A = math.exp %min3A_25 : vector<2000x128xf32>
    %sub3A = arith.constant 1.000000e+00 : f32
    %sub3A_26 = vector.broadcast %sub3A : f32 to vector<2000x128xf32>
    %sub3A_27 = arith.subf %exp3A, %sub3A_26 : vector<2000x128xf32>
    %select_n3A = arith.select %gt3A_23, %mul3A_21, %sub3A_27 : vector<2000x128xi1>, vector<2000x128xf32>
    %dot_general3A_28 = arith.constant dense<0.000000e+00> : vector<2000x384xf32>
    %dot_general3A_29 = tpu.matmul %select_n3A, %get3A_11, %dot_general3A_28 {dimension_numbers = #tpu.dot_dimension_numbers<[1], [1], [0], [0], [0, 0, 1, 0], [], []>, transpose_lhs_hint = false} : vector<2000x128xf32>, vector<384x128xf32>, vector<2000x384xf32> -> vector<2000x384xf32>
    %broadcast_in_dim3A_30 = vector.shape_cast %get3A_16 : vector<384xf32> to vector<1x384xf32>
    %add3A_31 = vector.broadcast %broadcast_in_dim3A_30 : vector<1x384xf32> to vector<2000x384xf32>
    %add3A_32 = arith.addf %dot_general3A_29, %add3A_31 : vector<2000x384xf32>
    %dot_general3A_33 = arith.constant dense<0.000000e+00> : vector<2000x384xf32>
    %dot_general3A_34 = tpu.matmul %get3A_1, %get3A_14, %dot_general3A_33 {dimension_numbers = #tpu.dot_dimension_numbers<[1], [1], [0], [0], [0, 0, 1, 0], [], []>, transpose_lhs_hint = false} : vector<2000x128xf32>, vector<384x128xf32>, vector<2000x384xf32> -> vector<2000x384xf32>
    %broadcast_in_dim3A_35 = vector.shape_cast %get3A_18 : vector<384xf32> to vector<1x384xf32>
    %add3A_36 = vector.broadcast %broadcast_in_dim3A_35 : vector<1x384xf32> to vector<2000x384xf32>
    %add3A_37 = arith.addf %dot_general3A_34, %add3A_36 : vector<2000x384xf32>
    %slice3A_38 = vector.extract_strided_slice %add3A_32 {offsets = [0, 0], sizes = [2000, 128], strides = [1, 1]} : vector<2000x384xf32> to vector<2000x128xf32>
    %slice3A_39 = vector.extract_strided_slice %add3A_37 {offsets = [0, 0], sizes = [2000, 128], strides = [1, 1]} : vector<2000x384xf32> to vector<2000x128xf32>
    %add3A_40 = arith.addf %slice3A_38, %slice3A_39 : vector<2000x128xf32>
    %logistic3A = arith.negf %add3A_40 : vector<2000x128xf32>
    %logistic3A_41 = math.exp %logistic3A : vector<2000x128xf32>
    %logistic3A_42 = arith.constant 1.000000e+00 : f32
    %logistic3A_43 = vector.broadcast %logistic3A_42 : f32 to vector<2000x128xf32>
    %logistic3A_44 = arith.addf %logistic3A_43, %logistic3A_41 : vector<2000x128xf32>
    %logistic3A_45 = arith.divf %logistic3A_43, %logistic3A_44 : vector<2000x128xf32>
    %slice3A_46 = vector.extract_strided_slice %add3A_32 {offsets = [0, 128], sizes = [2000, 128], strides = [1, 1]} : vector<2000x384xf32> to vector<2000x128xf32>
    %slice3A_47 = vector.extract_strided_slice %add3A_37 {offsets = [0, 128], sizes = [2000, 128], strides = [1, 1]} : vector<2000x384xf32> to vector<2000x128xf32>
    %add3A_48 = arith.addf %slice3A_46, %slice3A_47 : vector<2000x128xf32>
    %logistic3A_49 = arith.negf %add3A_48 : vector<2000x128xf32>
    %logistic3A_50 = math.exp %logistic3A_49 : vector<2000x128xf32>
    %logistic3A_51 = arith.constant 1.000000e+00 : f32
    %logistic3A_52 = vector.broadcast %logistic3A_51 : f32 to vector<2000x128xf32>
    %logistic3A_53 = arith.addf %logistic3A_52, %logistic3A_50 : vector<2000x128xf32>
    %logistic3A_54 = arith.divf %logistic3A_52, %logistic3A_53 : vector<2000x128xf32>
    %slice3A_55 = vector.extract_strided_slice %add3A_32 {offsets = [0, 256], sizes = [2000, 128], strides = [1, 1]} : vector<2000x384xf32> to vector<2000x128xf32>
    %slice3A_56 = vector.extract_strided_slice %add3A_37 {offsets = [0, 256], sizes = [2000, 128], strides = [1, 1]} : vector<2000x384xf32> to vector<2000x128xf32>
    %mul3A_57 = arith.mulf %logistic3A_45, %slice3A_56 : vector<2000x128xf32>
    %add3A_58 = arith.addf %slice3A_55, %mul3A_57 : vector<2000x128xf32>
    %tanh3A = math.tanh %add3A_58 : vector<2000x128xf32>
    %sub3A_59 = arith.constant 1.000000e+00 : f32
    %sub3A_60 = vector.broadcast %sub3A_59 : f32 to vector<2000x128xf32>
    %sub3A_61 = arith.subf %sub3A_60, %logistic3A_54 : vector<2000x128xf32>
    %mul3A_62 = arith.mulf %sub3A_61, %tanh3A : vector<2000x128xf32>
    %mul3A_63 = arith.mulf %logistic3A_54, %get3A_1 : vector<2000x128xf32>
    %add3A_64 = arith.addf %mul3A_62, %mul3A_63 : vector<2000x128xf32>
    %get3A_65 = arith.constant 0 : index
    %get3A_66 = arith.constant 0 : index
    %get3A_67 = vector.load %arg8[%get3A_65, %get3A_66] : memref<128x128xf32, #tpu.memory_space<vmem>>, vector<128x128xf32>
    %get3A_68 = arith.constant 0 : index
    %get3A_69 = vector.load %arg9[%get3A_68] : memref<128xf32, #tpu.memory_space<vmem>>, vector<128xf32>
    %get3A_70 = arith.constant 0 : index
    %get3A_71 = arith.constant 0 : index
    %get3A_72 = vector.load %arg10[%get3A_70, %get3A_71] : memref<384x128xf32, #tpu.memory_space<vmem>>, vector<384x128xf32>
    %get3A_73 = arith.constant 0 : index
    %get3A_74 = arith.constant 0 : index
    %get3A_75 = vector.load %arg11[%get3A_73, %get3A_74] : memref<384x128xf32, #tpu.memory_space<vmem>>, vector<384x128xf32>
    %get3A_76 = arith.constant 0 : index
    %get3A_77 = vector.load %arg12[%get3A_76] : memref<384xf32, #tpu.memory_space<vmem>>, vector<384xf32>
    %get3A_78 = arith.constant 0 : index
    %get3A_79 = vector.load %arg13[%get3A_78] : memref<384xf32, #tpu.memory_space<vmem>>, vector<384xf32>
    %dot_general3A_80 = arith.constant dense<0.000000e+00> : vector<2000x128xf32>
    %dot_general3A_81 = tpu.matmul %add3A_64, %get3A_67, %dot_general3A_80 {dimension_numbers = #tpu.dot_dimension_numbers<[1], [1], [0], [0], [0, 0, 1, 0], [], []>, transpose_lhs_hint = false} : vector<2000x128xf32>, vector<128x128xf32>, vector<2000x128xf32> -> vector<2000x128xf32>
    %broadcast_in_dim3A_82 = vector.shape_cast %get3A_69 : vector<128xf32> to vector<1x128xf32>
    %add3A_83 = vector.broadcast %broadcast_in_dim3A_82 : vector<1x128xf32> to vector<2000x128xf32>
    %add3A_84 = arith.addf %dot_general3A_81, %add3A_83 : vector<2000x128xf32>
    %mul3A_85 = vector.broadcast %slice3A : vector<2000x1xf32> to vector<2000x128xf32>
    %mul3A_86 = arith.mulf %add3A_84, %mul3A_85 : vector<2000x128xf32>
    %gt3A_87 = arith.constant 0.000000e+00 : f32
    %gt3A_88 = vector.broadcast %gt3A_87 : f32 to vector<2000x128xf32>
    %gt3A_89 = arith.cmpf ogt, %mul3A_86, %gt3A_88 : vector<2000x128xf32>
    %min3A_90 = arith.constant 0.000000e+00 : f32
    %min3A_91 = vector.broadcast %min3A_90 : f32 to vector<2000x128xf32>
    %min3A_92 = arith.minimumf %mul3A_86, %min3A_91 : vector<2000x128xf32>
    %exp3A_93 = math.exp %min3A_92 : vector<2000x128xf32>
    %sub3A_94 = arith.constant 1.000000e+00 : f32
    %sub3A_95 = vector.broadcast %sub3A_94 : f32 to vector<2000x128xf32>
    %sub3A_96 = arith.subf %exp3A_93, %sub3A_95 : vector<2000x128xf32>
    %select_n3A_97 = arith.select %gt3A_89, %mul3A_86, %sub3A_96 : vector<2000x128xi1>, vector<2000x128xf32>
    %dot_general3A_98 = arith.constant dense<0.000000e+00> : vector<2000x384xf32>
    %dot_general3A_99 = tpu.matmul %select_n3A_97, %get3A_72, %dot_general3A_98 {dimension_numbers = #tpu.dot_dimension_numbers<[1], [1], [0], [0], [0, 0, 1, 0], [], []>, transpose_lhs_hint = false} : vector<2000x128xf32>, vector<384x128xf32>, vector<2000x384xf32> -> vector<2000x384xf32>
    %broadcast_in_dim3A_100 = vector.shape_cast %get3A_77 : vector<384xf32> to vector<1x384xf32>
    %add3A_101 = vector.broadcast %broadcast_in_dim3A_100 : vector<1x384xf32> to vector<2000x384xf32>
    %add3A_102 = arith.addf %dot_general3A_99, %add3A_101 : vector<2000x384xf32>
    %dot_general3A_103 = arith.constant dense<0.000000e+00> : vector<2000x384xf32>
    %dot_general3A_104 = tpu.matmul %add3A_64, %get3A_75, %dot_general3A_103 {dimension_numbers = #tpu.dot_dimension_numbers<[1], [1], [0], [0], [0, 0, 1, 0], [], []>, transpose_lhs_hint = false} : vector<2000x128xf32>, vector<384x128xf32>, vector<2000x384xf32> -> vector<2000x384xf32>
    %broadcast_in_dim3A_105 = vector.shape_cast %get3A_79 : vector<384xf32> to vector<1x384xf32>
    %add3A_106 = vector.broadcast %broadcast_in_dim3A_105 : vector<1x384xf32> to vector<2000x384xf32>
    %add3A_107 = arith.addf %dot_general3A_104, %add3A_106 : vector<2000x384xf32>
    %slice3A_108 = vector.extract_strided_slice %add3A_102 {offsets = [0, 0], sizes = [2000, 128], strides = [1, 1]} : vector<2000x384xf32> to vector<2000x128xf32>
    %slice3A_109 = vector.extract_strided_slice %add3A_107 {offsets = [0, 0], sizes = [2000, 128], strides = [1, 1]} : vector<2000x384xf32> to vector<2000x128xf32>
    %add3A_110 = arith.addf %slice3A_108, %slice3A_109 : vector<2000x128xf32>
    %logistic3A_111 = arith.negf %add3A_110 : vector<2000x128xf32>
    %logistic3A_112 = math.exp %logistic3A_111 : vector<2000x128xf32>
    %logistic3A_113 = arith.constant 1.000000e+00 : f32
    %logistic3A_114 = vector.broadcast %logistic3A_113 : f32 to vector<2000x128xf32>
    %logistic3A_115 = arith.addf %logistic3A_114, %logistic3A_112 : vector<2000x128xf32>
    %logistic3A_116 = arith.divf %logistic3A_114, %logistic3A_115 : vector<2000x128xf32>
    %slice3A_117 = vector.extract_strided_slice %add3A_102 {offsets = [0, 128], sizes = [2000, 128], strides = [1, 1]} : vector<2000x384xf32> to vector<2000x128xf32>
    %slice3A_118 = vector.extract_strided_slice %add3A_107 {offsets = [0, 128], sizes = [2000, 128], strides = [1, 1]} : vector<2000x384xf32> to vector<2000x128xf32>
    %add3A_119 = arith.addf %slice3A_117, %slice3A_118 : vector<2000x128xf32>
    %logistic3A_120 = arith.negf %add3A_119 : vector<2000x128xf32>
    %logistic3A_121 = math.exp %logistic3A_120 : vector<2000x128xf32>
    %logistic3A_122 = arith.constant 1.000000e+00 : f32
    %logistic3A_123 = vector.broadcast %logistic3A_122 : f32 to vector<2000x128xf32>
    %logistic3A_124 = arith.addf %logistic3A_123, %logistic3A_121 : vector<2000x128xf32>
    %logistic3A_125 = arith.divf %logistic3A_123, %logistic3A_124 : vector<2000x128xf32>
    %slice3A_126 = vector.extract_strided_slice %add3A_102 {offsets = [0, 256], sizes = [2000, 128], strides = [1, 1]} : vector<2000x384xf32> to vector<2000x128xf32>
    %slice3A_127 = vector.extract_strided_slice %add3A_107 {offsets = [0, 256], sizes = [2000, 128], strides = [1, 1]} : vector<2000x384xf32> to vector<2000x128xf32>
    %mul3A_128 = arith.mulf %logistic3A_116, %slice3A_127 : vector<2000x128xf32>
    %add3A_129 = arith.addf %slice3A_126, %mul3A_128 : vector<2000x128xf32>
    %tanh3A_130 = math.tanh %add3A_129 : vector<2000x128xf32>
    %sub3A_131 = arith.constant 1.000000e+00 : f32
    %sub3A_132 = vector.broadcast %sub3A_131 : f32 to vector<2000x128xf32>
    %sub3A_133 = arith.subf %sub3A_132, %logistic3A_125 : vector<2000x128xf32>
    %mul3A_134 = arith.mulf %sub3A_133, %tanh3A_130 : vector<2000x128xf32>
    %mul3A_135 = arith.mulf %logistic3A_125, %add3A_64 : vector<2000x128xf32>
    %add3A_136 = arith.addf %mul3A_134, %mul3A_135 : vector<2000x128xf32>
    %swap3A = arith.constant 0 : index
    %swap3A_137 = arith.constant 0 : index
    %swap3A_138 = vector.load %arg14[%swap3A, %swap3A_137] : memref<2000x128xf32, #tpu.memory_space<vmem>>, vector<2000x128xf32>
    tpu.vector_store %arg14[%swap3A, %swap3A_137], %add3A_136 {strides = array<i32>} : memref<2000x128xf32, #tpu.memory_space<vmem>>, vector<2000x128xf32>,
    return
  }
}

</mosaic_0001>

<sc_bundles>
// kernel: seg_nonempty_flags.3.cloned.1.call-start
scs
__scs_entry_jumppad:
0x0: {  	(pc) =	sbr.rel $0x88, $3  }
0x1: {  	(tag) =	ssettag $0x0;
	lr =	simm.s32 $0x1  }
0x2: {  	[smem:$0x3F93] =	sst lr;
	_ =	strace $0xD0000000  }
0x3: {  	_ = 	snop  }
0x4: {  	_ = 	snop  }
0x5: {  	_ = 	snop  }
0x6: {  	_ = 	snop  }
0x7: {  	_ = 	snop  }
__scs_overlays_trampoline_lowered:
0x8: {  	[smem:$0x3FA2] =	sst s0  }
0x9: {  	[smem:$0x3FA3] =	sst s1  }
0xa: {  	[smem:$0x3FA4] =	sst s2  }
0xb: {  	[smem:$0x3FA5] =	sst s3  }
0xc: {  	[smem:$0x3FA6] =	sst s4  }
0xd: {  	[smem:$0x3FA7] =	sst s5  }
0xe: {  	[smem:$0x3FA8] =	sst s6  }
0xf: {  	[smem:$0x3FA9] =	sst s7  }
0x10: {  	[smem:$0x3FAA] =	sst s8  }
0x11: {  	[smem:$0x3FAB] =	sst s9;
	s0 =	simm.s32 @!p0 $0x0  }
0x12: {  	s1 =	sld [smem:$0x3F91];
	s0 =	simm.s32 @p0 $0x1  }
0x13: {  	[smem:$0x3FAC] =	sst s0;
	s0 =	simm.s32 @!p1 $0x0  }
0x14: {  	s2 =	sld [smem:$0x3F90];
	s0 =	simm.s32 @p1 $0x1  }
0x15: {  	[smem:$0x3FAD] =	sst s0;
	s0 =	simm.s32 @!p2 $0x0  }
0x16: {  	s3 =	sld [smem:$0x3FDB];
	s0 =	simm.s32 @p2 $0x1  }
0x17: {  	s4 =	simm.s32 $0x1BF5;
	[smem:$0x3FAF] =	sst s0  }
0x18: {  	s0 =	sld [smem:$0x3F92];
	_ =	swait.ge [sflag:s4], $0x0  }
0x19: {  	s7 =	sld [smem:$0x3F93]  }
0x1a: {  	s8 =	sadd.s32 $0xFFFFE003, lr  }
0x1b: {  	s9 =	sadd.s32 $0xFFFFFEF7, lr;
	s5 =	simm.s32 $0xFFFFFFFF;
	p2 =	slt.u32 s8, $0xFFFFF086  }
0x1c: {  	p1 =	slt.u32 s9, $0xF7A;
	s5 =	simm.s32 @!p2 $0x0  }
0x1d: {  	s5 =	simm.s32 @p1 $0x1;
	p0 =	seq.s32 s7, s2  }
0x1e: {  	s7 =	smul.u32 @!p0 $0xF7A, s2;
	p2 =	seq.s32 @!p0 s5, $0x0  }
0x1f: {  	s9 =	smul.u32 $0xF7A, s1;
	s8 =	simm.s32 @!p0 $0x1BF5;
	p2 =	por !p2, p0  }
0x20: {  	[sflag:s8] =	ssyncset.s32 @!p0 $0xFFFFF086;
	s6 =	sadd.s32 @!p0 s3, s7;
	s7 =	simm.s32 @!p0 $0x108  }
0x21: {  	s3 =	sadd.s32 s3, s9;
	s6 =	sadd.s32 @!p0 $0x88, s6;
	s7 =	simm.s32 @p2 $0x1082  }
0x22: {  	[simem:s7], [sflag:s8] =	dma.local @!p0 [hbm:s6], $0xF7A  }
0x23: {  	s9 =	sor.u32 $0xD0000000, s2;
	s6 =	simm.s32 $0x108;
	_ =	swait.ge @!p0 [sflag:s8], $0x0  }
0x24: {  	s3 =	sadd.s32 $0x88, s3;
	s6 =	simm.s32 @!p1 $0x1082;
	[sflag:s4] =	ssyncset.s32 $0xFFFFF086  }
0x25: {  	[simem:s6], [sflag:s4] =	dma.local [hbm:s3], $0xF7A  }
0x26: {  	[smem:$0x3F93] =	sst s1;
	(tag) =	ssettag s2;
	_ =	strace s9  }
0x27: {  	s1 =	sld [smem:$0x3FA3]  }
0x28: {  	s2 =	sld [smem:$0x3FA4]  }
0x29: {  	s4 =	sld [smem:$0x3FA6]  }
0x2a: {  	p0 =	seq.s32 s5, $0x0;
	s5 =	sld [smem:$0x3FA7]  }
0x2b: {  	s6 =	sld [smem:$0x3FA8]  }
0x2c: {  	s7 =	sld [smem:$0x3FA9]  }
0x2d: {  	s3 =	simm.s32 $0x108;
	s8 =	sld [smem:$0x3FAA]  }
0x2e: {  	s3 =	simm.s32 @!p0 $0x1082;
	s9 =	sld [smem:$0x3FAB]  }
0x2f: {  	lr =	sadd.s32 s0, s3;
	s0 =	sld [smem:$0x3FA2]  }
0x30: {  	s3 =	sld [smem:$0x3FA5]  }
0x31: {  	[smem:$0x3FAE] =	sst s10  }
0x32: {  	s10 =	sld [smem:$0x3FAC];
	_ =	sdelay $0x3  }
0x33: {  	p0 =	seq.s32 s10, $0x1;
	s10 =	sld [smem:$0x3FAE];
	_ =	sdelay $0x3  }
0x34: {  	[smem:$0x3FAE] =	sst s10  }
0x35: {  	s10 =	sld [smem:$0x3FAD];
	_ =	sdelay $0x3  }
0x36: {  	p1 =	seq.s32 s10, $0x1;
	s10 =	sld [smem:$0x3FAE];
	_ =	sdelay $0x3  }
0x37: {  	[smem:$0x3FAE] =	sst s10  }
0x38: {  	s10 =	sld [smem:$0x3FAF]  }
0x39: {  	_ = 	snop;
	(pc) =	sbr.ind lr, $3  }
0x3a: {  	_ = 	snop  }
0x3b: {  	_ = 	snop  }
0x3c: {  	p2 =	seq.s32 s10, $0x1;
	s10 =	sld [smem:$0x3FAE]  }
0x3d: {  	_ =	shalt  }
0x3e: {  	_ =	shalt  }
0x3f: {  	_ =	shalt  }
0x40: {  	_ =	shalt  }
0x41: {  	_ =	shalt  }
0x42: {  	_ =	shalt  }
0x43: {  	_ =	shalt  }
0x44: {  	_ =	shalt  }
0x45: {  	_ =	shalt  }
0x46: {  	_ =	shalt  }
0x47: {  	_ =	shalt  }
0x48: {  	_ =	shalt  }
0x49: {  	_ =	shalt  }
0x4a: {  	_ =	shalt  }
0x4b: {  	_ =	shalt  }
0x4c: {  	_ =	shalt  }
0x4d: {  	_ =	shalt  }
0x4e: {  	_ =	shalt  }
0x4f: {  	_ =	shalt  }
0x50: {  	_ =	shalt  }
0x51: {  	_ =	shalt  }
0x52: {  	_ =	shalt  }
0x53: {  	_ =	shalt  }
0x54: {  	_ =	shalt  }
0x55: {  	_ =	shalt  }
0x56: {  	_ =	shalt  }
0x57: {  	_ =	shalt  }
0x58: {  	_ =	shalt  }
0x59: {  	_ =	shalt  }
0x5a: {  	_ =	shalt  }
0x5b: {  	_ =	shalt  }
0x5c: {  	_ =	shalt  }
0x5d: {  	_ =	shalt  }
0x5e: {  	_ =	shalt  }
0x5f: {  	_ =	shalt  }
0x60: {  	_ =	shalt  }
0x61: {  	_ =	shalt  }
0x62: {  	_ =	shalt  }
0x63: {  	_ =	shalt  }
0x64: {  	_ =	shalt  }
0x65: {  	_ =	shalt  }
0x66: {  	_ =	shalt  }
0x67: {  	_ =	shalt  }
0x68: {  	_ =	shalt  }
0x69: {  	_ =	shalt  }
0x6a: {  	_ =	shalt  }
0x6b: {  	_ =	shalt  }
0x6c: {  	_ =	shalt  }
0x6d: {  	_ =	shalt  }
0x6e: {  	_ =	shalt  }
0x6f: {  	_ =	shalt  }
0x70: {  	_ =	shalt  }
0x71: {  	_ =	shalt  }
0x72: {  	_ =	shalt  }
0x73: {  	_ =	shalt  }
0x74: {  	_ =	shalt  }
0x75: {  	_ =	shalt  }
0x76: {  	_ =	shalt  }
0x77: {  	_ =	shalt  }
0x78: {  	_ =	shalt  }
0x79: {  	_ =	shalt  }
0x7a: {  	_ =	shalt  }
0x7b: {  	_ =	shalt  }
0x7c: {  	_ =	shalt  }
0x7d: {  	_ =	shalt  }
0x7e: {  	_ =	shalt  }
0x7f: {  	_ =	shalt  }
0x80: {  	_ =	shalt  }
0x81: {  	_ =	shalt  }
0x82: {  	_ =	shalt  }
0x83: {  	_ =	shalt  }
0x84: {  	_ =	shalt  }
0x85: {  	_ =	shalt  }
0x86: {  	_ =	shalt  }
0x87: {  	_ =	shalt  }
.Lfunc_end0:
.L_simem_size_0:
called_computation_lowered:
.L_overlay_start_0:
0x88: {  	s0 =	sld [smem:$0x3FD9]  }
0x89: {  	s1 =	sld [smem:$0x3FFE];
	_ =	sdelay $0x3  }
0x8a: {  	s0 =	sadd.s32 s1, s0  }
0x8b: {  	[smem:$0x3FBA] =	sst s0  }
0x8c: {  	_ = 	snop  }
0x8d: {  	s0 =	sld [smem:$0x3FC8]  }
0x8e: {  	s17 =	sld [smem:$0x3FD0];
	(tm) =	ssettm $0x1  }
0x8f: {  	s2 =	sld [smem:$0x3FFB];
	_ =	sdelay $0x3  }
0x90: {  	_ =	strace s2  }
0x91: {  	s2 =	sld [smem:$0x3FFC];
	_ =	sdelay $0x3  }
0x92: {  	_ =	strace s2  }
0x93: {  	s2 =	sld [smem:$0x3FFD];
	_ =	sdelay $0x3  }
0x94: {  	_ =	strace s2  }
0x95: {  	_ =	strace $0x8FFFFFFF  }
0x96: {  	s18 =	sld [smem:$0x3FDB];
	_ =	sdelay $0x1  }
0x97: {  	s3 =	simm.s32 $_scs_section_size  }
0x98: {  	s4 =	simm.s32 $_size__tile_overlayer_lowered;
	s5 =	simm.s32 $_tile_overlayer_lowered  }
0x99: {  	s21 =	simm.s32 $0x1BFF;
	s20 =	sshll.u32 s5, $0x1;
	s2 =	sadd.s32 s3, s18  }
0x9a: {  	s6 =	simm.s32 $0x0;
	s19 =	sshll.u32 s4, $0x1;
	s4 =	sadd.s32 s20, s2  }
0x9b: {  	[timem:s6], [sflag:s21] =	dma.local [hbm:s4], s19  }
0x9c: {  	_ =	swait.ge [sflag:s21], s19  }
0x9d: {  	s3 =	ssub.s32 $0x0, s19;
	[sflag:s21] =	ssyncset.done $0x0  }
0x9e: {  	[sflag:s21] =	ssyncadd.s32 s3;
	_ =	sdelay $0x1  }
0x9f: {  	s22 =	simm.s32 $0x1B8B  }
0xa0: {  	_ =	swait.ge [sflag:s22], $0x1  }
0xa1: {  	[sflag:s22] =	ssyncset.done $0x0  }
0xa2: {  	s23 =	simm.s32 $0x1B8E;
	[sflag:s22] =	ssyncadd.s32 $0xFFFFFFFF  }
0xa3: {  	s24 =	simm.s32 $execute0_lowered;
	[smem:$0x3FD2] =	sst s23  }
0xa4: {  	s3 =	sshll.u32 s24, $0x1;
	_ =	strace $0x80000046;
	[dreg:$0x1] =	wrdreg $0xFFFFFFFF  }
0xa5: {  	s25 =	simm.s32 $_size_execute0_lowered;
	s2 =	sadd.s32 s2, s3;
	[dreg:$0x0] =	wrdreg $0x0  }
0xa6: {  	s3 =	sshll.u32 s25, $0x1;
	[dreg:$0x2] =	wrdreg s2  }
0xa7: {  	[dreg:$0x3] =	wrdreg s3  }
0xa8: {  	[dreg:$0x4] =	wrdreg $0xC0  }
0xa9: {  	_ =	task [dreg:s6], $0x5FFFF  }
0xaa: {  	[dreg:$0x1] =	wrdreg $0xFFFFFFFF  }
0xab: {  	[dreg:$0x0] =	wrdreg $0x60  }
0xac: {  	[dreg:$0x2] =	wrdreg s0  }
0xad: {  	[dreg:$0x3] =	wrdreg s17  }
0xae: {  	[dreg:$0x4] =	wrdreg $0x29000  }
0xaf: {  	[dreg:$0x5] =	wrdreg $0x9  }
0xb0: {  	_ =	task.clear_ibuf [dreg:s6], $0x6FFFF;
	_ =	strace $0x90000046  }
0xb1: {  	s26 =	simm.s32 $0x9;
	_ =	strace $0x80000048  }
0xb2: {  	_ =	swait.ge [sflag:s26], $0x1  }
0xb3: {  	[sflag:s26] =	ssyncadd.s32 $0xFFFFFFFF  }
0xb4: {  	_ =	strace $0x90000048  }
0xb5: {  	_ =	sfence  }
0xb6: {  	s28 =	sld [smem:$0x0];
	_ =	sdelay $0x1  }
0xb7: {  	s29 =	srdreg.scid  }
0xb8: {  	s30 =	sshll.u32 s29, $0xD;
	s31 =	sshrl.u32 s29, $0x2  }
0xb9: {  	s1 =	sand.u32 $0x1, s29;
	s2 =	sand.u32 $0x4000, s30;
	s0 =	sadd.s32 s31, s28  }
0xba: {  	s1 =	sor.u32 s2, s1;
	s0 =	sshll.u32 s0, $0x11  }
0xbb: {  	s0 =	sor.u32 s0, s1  }
0xbc: {  	s0 =	sadd.s32 $0x8F2B, s0  }
0xbd: {  	[sflag:s0] =	ssyncadd.remote.s32 $0x1  }
0xbe: {  	_ =	sfence.sel $0xFFFF  }
0xbf: {  	[dreg:$0x0] =	wrdreg $0xFFFFFFFF;
	(pc) =	sbr.abs _section_cstart, $3  }
0xc0: {  	[dreg:$0x1] =	wrdreg $0xFFFFFFFF  }
0xc1: {  	_ =	task.clear_ibuf [dreg:s6], $0x2FFFF;
	_ =	strace $0x9FFFFFFF  }
0xc2: {  	(tm) =	ssettm $0x7FFFFFFF  }
0xc3: {  	_ =	shalt  }
tec
execute0_lowered:
.L_overlay_start_1:
0x0: {  	(tag) =	ssettag $0x1  }
0x1: {  	s4 =	rddreg [dreg:$0x0]  }
0x2: {  	s2 =	rddreg [dreg:$0x1]  }
0x3: {  	s3 =	rddreg [dreg:$0x2]  }
0x4: {  	s0 =	rddreg [dreg:$0x3];
	s1 =	simm.s32 $0x0  }
0x5: {  	s6 =	simm.s32 $0x100;
	[smem:$0x7FF] =	sst s1  }
0x6: {  	v0 =	vimm.f32 $0.0e+00;
	s5 =	simm.s32 $0x0;
	s1 =	stileid.u32;
	_ =	strace $0x80000047  }
.LBB2_1:
0x7: {  	p0 =	sne.s32 s6, $0x1F00;
	[tilespmem:s5+$0x18B0] =	vst v0;
	s7 =	smov.u32 s6;
	s6 =	sadd.s32 $0x100, s6  }
.Ltmp0:
0x8: {  	[tilespmem:s5+$0x18A0] =	vst v0;
	(pc) =	sbr.rel @p0 .LBB2_1-.Ltmp0, $3  }
0x9: {  	[tilespmem:s5+$0x1880] =	vst v0  }
0xa: {  	[tilespmem:s5+$0x1890] =	vst v0;
	_ =	sdelay $0x1  }
0xb: {  	s5 =	sshra.s32 s7, $0x2  }
0xc: {  	[tilespmem:s5+$0x18B0] =	vst v0  }
0xd: {  	[tilespmem:s5+$0x18A0] =	vst v0  }
0xe: {  	[tilespmem:s5+$0x1880] =	vst v0;
	p0 =	seq.s32 s1, $0xF  }
0xf: {  	[tilespmem:s5+$0x1890] =	vst v0;
	s5 =	sadd.s32 @p0 $0x2DF0, s4;
	s6 =	simm.s32 @p0 $0x0  }
0x10: {  	[tilespmem:s6], [sflag:$0x1] =	stream.linear.gather @p0 [hbm4b:s5+s6], $0x1720, $0x38;
	[tilespmem:$0x3100] =	vst v63  }
0x11: {  	s25 =	sshll.u32 s1, $0xB;
	s7 =	smul.u32 @!p0 $0x310, s1;
	s5 =	simm.s32 @p0 $0x1  }
0x12: {  	s6 =	sand.u32 $0x4000, s25;
	_ =	swait.ge @p0 [sflag:s5], $0x1720  }
0x13: {  	s4 =	sadd.s32 @!p0 s4, s7;
	s7 =	simm.s32 @!p0 $0x0;
	[sflag:s5] =	ssyncset.done @p0 $0x0  }
0x14: {  	s29 =	sadd.s32 s6, s3;
	s6 =	simm.s32 @!p0 $0x1;
	[sflag:s5] =	ssyncadd.s32 @p0 $0xFFFFE8E0  }
0x15: {  	[tilespmem:s7], [sflag:$0x1] =	stream.linear.gather @!p0 [hbm4b:s4+s7], $0x1880, $0x38;
	[tilespmem:$0x3100] =	vst v63  }
0x16: {  	s7 =	simm.s32 @!p0 $0xC4;
	_ =	swait.ge @!p0 [sflag:s6], $0x1880  }
0x17: {  	s7 =	simm.s32 @p0 $0xB9;
	[sflag:s6] =	ssyncset.done @!p0 $0x0  }
0x18: {  	[sflag:s6] =	ssyncadd.s32 @!p0 $0xFFFFE780;
	p0 =	sne.s32 s7, $0x1  }
.Ltmp1:
0x19: {  	_ = 	snop;
	(pc) =	sbr.rel @!p0 .LBB2_4-.Ltmp1, $4  }
0x1a: {  	s26 =	sshll.u32 s1, $0x7  }
0x1b: {  	s30 =	sshll.u32 s1, $0xA;
	s31 =	sshll.u32 s1, $0x4;
	s6 =	simm.s32 $0x10  }
0x1c: {  	s28 =	sand.u32 $0x380, s26;
	s2 =	sadd.s32 s2, s31;
	s5 =	sadd.s32 s30, s3;
	v1 =	vld [tilespmem:s6+$0xFFFFFFF0]  }
0x1d: {  	v0 =	vimm.f32 $1.000000000e+00;
	s3 =	simm.s32 $0x1880;
	s4 =	sadd.s32 s28, s29;
	s7 =	sadd.s32 $0xFFFFFFFF, s7;
	v2 =	vld [tilespmem:s6+$0x0]  }
.LBB2_3:
0x1e: {  	p0 =	sne.s32 s7, $0x1;
	_ =	sdelay $0x4  }
.Ltmp2:
0x1f: {  	(pc) =	sbr.rel @p0 .LBB2_3-.Ltmp2, $4  }
0x20: {  	[tilespmem:v1+s3+$0x0] =	vst.idx.msk $0xffff, v0  }
0x21: {  	s6 =	sadd.s32 $0x20, s6;
	[tilespmem:v2+s3+$0x0] =	vst.idx.msk $0xffff, v0  }
0x22: {  	v1 =	vld [tilespmem:s6+$0xFFFFFFF0]  }
0x23: {  	s7 =	sadd.s32 $0xFFFFFFFF, s7;
	v2 =	vld [tilespmem:s6+$0x0]  }
.LBB2_4:
0x24: {  	_ =	sdelay $0x6  }
0x25: {  	[tilespmem:v1+s3+$0x0] =	vst.idx.msk $0xffff, v0  }
0x26: {  	s6 =	simm.s32 $0x80;
	s7 =	simm.s32 $0x400;
	s26 =	simm.s32 $0x1;
	[tilespmem:v2+s3+$0x0] =	vst.idx.msk $0xffff, v0  }
0x27: {  	[spmem:s4] =	stream.strided.scatter [tilespmem:s3], [sflag:$0x1], $0x800, s7, s6, $0x38;
	[tilespmem:$0x3100] =	vst v63  }
0x28: {  	_ =	swait.ge [sflag:s26], $0x800  }
0x29: {  	[sflag:s26] =	ssyncset.done $0x0  }
0x2a: {  	[sflag:s26] =	ssyncadd.s32 $0xFFFFF800  }
0x2b: {  	s28 =	simm.s32 $0x4000;
	s29 =	simm.s32 $0x2080;
	[bflag:$0x0] =	sbarrier.arrive $0xFFFF  }
0x2c: {  	[tilespmem:s29], [sflag:$0x1] =	stream.strided.gather [spmem:s5], $0x800, s28, s7, $0x38;
	[tilespmem:$0x3100] =	vst v63  }
0x2d: {  	_ =	swait.ge [sflag:s26], $0x800  }
0x2e: {  	[sflag:s26] =	ssyncset.done $0x0  }
0x2f: {  	[sflag:s26] =	ssyncadd.s32 $0xFFFFF800  }
0x30: {  	v0 =	vld [tilespmem:$0x2080]  }
0x31: {  	v1 =	vld [tilespmem:$0x2100]  }
0x32: {  	v2 =	vld [tilespmem:$0x2180]  }
0x33: {  	v3 =	vld [tilespmem:$0x2200]  }
0x34: {  	v9 =	vld [tilespmem:$0x2280]  }
0x35: {  	v10 =	vld [tilespmem:$0x2300]  }
0x36: {  	v11 =	vld [tilespmem:$0x2380]  }
0x37: {  	v12 =	vld [tilespmem:$0x2400]  }
0x38: {  	v14 =	vld [tilespmem:$0x2480]  }
0x39: {  	v16 =	vld [tilespmem:$0x2500]  }
0x3a: {  	v18 =	vld [tilespmem:$0x2580]  }
0x3b: {  	v4 =	vld [tilespmem:$0x2600]  }
0x3c: {  	v42 =	vld [tilespmem:$0x2680]  }
0x3d: {  	v43 =	vld [tilespmem:$0x2700]  }
0x3e: {  	v44 =	vld [tilespmem:$0x2780]  }
0x3f: {  	v45 =	vld [tilespmem:$0x2800]  }
0x40: {  	v5 =	vld [tilespmem:$0x2090]  }
0x41: {  	v7 =	vld [tilespmem:$0x2110]  }
0x42: {  	v19 =	vld [tilespmem:$0x2190]  }
0x43: {  	v20 =	vld [tilespmem:$0x2210]  }
0x44: {  	v21 =	vld [tilespmem:$0x2290]  }
0x45: {  	v22 =	vld [tilespmem:$0x2310]  }
0x46: {  	v23 =	vld [tilespmem:$0x2390]  }
0x47: {  	v24 =	vld [tilespmem:$0x2410]  }
0x48: {  	v25 =	vld [tilespmem:$0x2490]  }
0x49: {  	v26 =	vld [tilespmem:$0x2510]  }
0x4a: {  	v27 =	vld [tilespmem:$0x2590]  }
0x4b: {  	v28 =	vld [tilespmem:$0x2610]  }
0x4c: {  	v29 =	vld [tilespmem:$0x2690]  }
0x4d: {  	v31 =	vld [tilespmem:$0x2710]  }
0x4e: {  	v46 =	vld [tilespmem:$0x2790]  }
0x4f: {  	v47 =	vld [tilespmem:$0x2810]  }
0x50: {  	v8 =	vld [tilespmem:$0x20A0]  }
0x51: {  	v33 =	vld [tilespmem:$0x2120]  }
0x52: {  	v34 =	vld [tilespmem:$0x21A0]  }
0x53: {  	v35 =	vld [tilespmem:$0x2220]  }
0x54: {  	v36 =	vld [tilespmem:$0x22A0]  }
0x55: {  	v37 =	vld [tilespmem:$0x2320]  }
0x56: {  	v38 =	vld [tilespmem:$0x23A0]  }
0x57: {  	v39 =	vld [tilespmem:$0x2420]  }
0x58: {  	v40 =	vld [tilespmem:$0x24A0]  }
0x59: {  	v41 =	vld [tilespmem:$0x2520]  }
0x5a: {  	v48 =	vld [tilespmem:$0x20B0]  }
0x5b: {  	v49 =	vld [tilespmem:$0x2130]  }
0x5c: {  	v50 =	vld [tilespmem:$0x21B0]  }
0x5d: {  	v51 =	vld [tilespmem:$0x2230]  }
0x5e: {  	v52 =	vld [tilespmem:$0x22B0]  }
0x5f: {  	v53 =	vld [tilespmem:$0x2330]  }
0x60: {  	v54 =	vld [tilespmem:$0x23B0]  }
0x61: {  	v55 =	vld [tilespmem:$0x2430]  }
0x62: {  	v56 =	vld [tilespmem:$0x24B0]  }
0x63: {  	v57 =	vld [tilespmem:$0x2530]  }
0x64: {  	v58 =	vld [tilespmem:$0x25B0]  }
0x65: {  	v59 =	vld [tilespmem:$0x2630]  }
0x66: {  	v60 =	vld [tilespmem:$0x26B0]  }
0x67: {  	v61 =	vld [tilespmem:$0x2730]  }
0x68: {  	v62 =	vld [tilespmem:$0x27B0]  }
0x69: {  	v63 =	vld [tilespmem:$0x2830]  }
0x6a: {  	v6 =	vld [tilespmem:$0x20C0]  }
0x6b: {  	v13 =	vld [tilespmem:$0x21C0]  }
0x6c: {  	v15 =	vld [tilespmem:$0x2240]  }
0x6d: {  	v17 =	vld [tilespmem:$0x22C0]  }
0x6e: {  	v30 =	vld [tilespmem:$0x2340]  }
0x6f: {  	v32 =	vld [tilespmem:$0x23C0]  }
0x70: {  	[tilespmem:$0x1FF90] =	vst v42;
	v42 =	vld [tilespmem:$0x25A0]  }
0x71: {  	[tilespmem:$0x1FFA0] =	vst v43;
	v43 =	vld [tilespmem:$0x2620]  }
0x72: {  	[tilespmem:$0x1FFB0] =	vst v44;
	v44 =	vld [tilespmem:$0x26A0]  }
0x73: {  	[tilespmem:$0x1FFD0] =	vst v45;
	v45 =	vld [tilespmem:$0x2720]  }
0x74: {  	[tilespmem:$0x1FFC0] =	vst v46;
	v46 =	vld [tilespmem:$0x27A0]  }
0x75: {  	[tilespmem:$0x1FFE0] =	vst v47;
	v47 =	vld [tilespmem:$0x2820]  }
0x76: {  	[tilespmem:$0x1FF80] =	vst v4;
	v4 =	vld [tilespmem:$0x2140]  }
0x77: {  	v0 =	vadd.f32 v1, v0;
	v1 =	vld [tilespmem:$0x2440]  }
0x78: {  	v5 =	vadd.f32 v7, v5;
	v7 =	vld [tilespmem:$0x24C0]  }
0x79: {  	[tilespmem:$0x1FFF0] =	vst v32;
	v48 =	vadd.f32 v49, v48;
	v32 =	vld [tilespmem:$0x2650]  }
0x7a: {  	v0 =	vadd.f32 v2, v0;
	v2 =	vadd.f32 v33, v8;
	v8 =	vld [tilespmem:$0x2540]  }
0x7b: {  	v33 =	vadd.f32 v19, v5;
	v19 =	vld [tilespmem:$0x25C0]  }
0x7c: {  	v5 =	vld [tilespmem:$0x2640];
	v48 =	vadd.f32 v50, v48  }
0x7d: {  	v0 =	vadd.f32 v3, v0;
	v3 =	vld [tilespmem:$0x26C0]  }
0x7e: {  	v2 =	vadd.f32 v34, v2;
	v49 =	vadd.f32 v51, v48;
	v48 =	vld [tilespmem:$0x2170]  }
0x7f: {  	v20 =	vadd.f32 v20, v33;
	v33 =	vld [tilespmem:$0x24F0]  }
0x80: {  	v34 =	vadd.f32 v35, v2;
	v2 =	vld [tilespmem:$0x2740]  }
0x81: {  	v0 =	vadd.f32 v9, v0;
	v9 =	vld [tilespmem:$0x27C0]  }
0x82: {  	v20 =	vadd.f32 v21, v20;
	v21 =	vadd.f32 v52, v49;
	v52 =	vld [tilespmem:$0x2150]  }
0x83: {  	v35 =	vld [tilespmem:$0x2850]  }
0x84: {  	v49 =	vld [tilespmem:$0x1FFE0]  }
0x85: {  	v10 =	vadd.f32 v10, v0;
	v0 =	vld [tilespmem:$0x2840]  }
0x86: {  	v4 =	vadd.f32 v4, v6;
	v20 =	vadd.f32 v22, v20;
	v22 =	vld [tilespmem:$0x20D0]  }
0x87: {  	v50 =	vadd.f32 v36, v34;
	v34 =	vld [tilespmem:$0x2750]  }
0x88: {  	v4 =	vadd.f32 v13, v4;
	v36 =	vld [tilespmem:$0x2560]  }
0x89: {  	v21 =	vadd.f32 v53, v21;
	v20 =	vadd.f32 v23, v20;
	v23 =	vld [tilespmem:$0x21D0]  }
0x8a: {  	v4 =	vadd.f32 v15, v4;
	v51 =	vadd.f32 v37, v50;
	v50 =	vld [tilespmem:$0x21E0]  }
0x8b: {  	v10 =	vadd.f32 v11, v10;
	v21 =	vadd.f32 v54, v21;
	v54 =	vld [tilespmem:$0x2270]  }
0x8c: {  	v37 =	vld [tilespmem:$0x2570];
	v4 =	vadd.f32 v17, v4  }
0x8d: {  	v10 =	vadd.f32 v12, v10;
	v11 =	vadd.f32 v38, v51;
	v12 =	vld [tilespmem:$0x2250]  }
0x8e: {  	v20 =	vadd.f32 v24, v20;
	v24 =	vld [tilespmem:$0x22D0];
	v21 =	vadd.f32 v55, v21  }
0x8f: {  	v51 =	vld [tilespmem:$0x21F0];
	v22 =	vadd.f32 v52, v22;
	v4 =	vadd.f32 v30, v4  }
0x90: {  	v52 =	vld [tilespmem:$0x2260];
	v10 =	vadd.f32 v14, v10;
	v11 =	vadd.f32 v39, v11  }
0x91: {  	v30 =	vld [tilespmem:$0x24E0];
	v20 =	vadd.f32 v25, v20;
	v21 =	vadd.f32 v56, v21  }
0x92: {  	v14 =	vld [tilespmem:$0x2350];
	v22 =	vadd.f32 v23, v22;
	v10 =	vadd.f32 v16, v10  }
0x93: {  	v25 =	vld [tilespmem:$0x23D0];
	v11 =	vadd.f32 v40, v11;
	v20 =	vadd.f32 v26, v20  }
0x94: {  	v21 =	vadd.f32 v57, v21;
	v57 =	vld [tilespmem:$0x1FF80];
	v12 =	vadd.f32 v12, v22  }
0x95: {  	v56 =	vld [tilespmem:$0x22E0];
	v10 =	vadd.f32 v18, v10;
	v11 =	vadd.f32 v41, v11  }
0x96: {  	v16 =	vld [tilespmem:$0x2450];
	v20 =	vadd.f32 v27, v20;
	v21 =	vadd.f32 v58, v21  }
0x97: {  	v58 =	vld [tilespmem:$0x1FF90];
	v12 =	vadd.f32 v24, v12;
	v11 =	vadd.f32 v42, v11  }
0x98: {  	v20 =	vadd.f32 v28, v20;
	v21 =	vadd.f32 v59, v21;
	v59 =	vld [tilespmem:$0x1FFA0]  }
0x99: {  	v42 =	vld [tilespmem:$0x2160];
	v10 =	vadd.f32 v57, v10;
	v11 =	vadd.f32 v43, v11  }
0x9a: {  	v12 =	vadd.f32 v14, v12;
	v21 =	vadd.f32 v60, v21;
	v60 =	vld [tilespmem:$0x20E0]  }
0x9b: {  	v20 =	vadd.f32 v29, v20;
	v11 =	vadd.f32 v44, v11;
	v44 =	vld [tilespmem:$0x20F0]  }
0x9c: {  	v26 =	vld [tilespmem:$0x24D0];
	v10 =	vadd.f32 v58, v10  }
0x9d: {  	v41 =	vld [tilespmem:$0x1FFB0];
	v12 =	vadd.f32 v25, v12;
	v20 =	vadd.f32 v31, v20  }
0x9e: {  	v18 =	vld [tilespmem:$0x2550];
	v21 =	vadd.f32 v61, v21;
	v10 =	vadd.f32 v59, v10  }
0x9f: {  	v43 =	vld [tilespmem:$0x1FFC0];
	v12 =	vadd.f32 v16, v12;
	v53 =	vadd.f32 v42, v60  }
0xa0: {  	v57 =	vld [tilespmem:$0x22F0];
	v11 =	vadd.f32 v45, v11;
	v55 =	vadd.f32 v48, v44  }
0xa1: {  	v58 =	vld [tilespmem:$0x2360];
	v21 =	vadd.f32 v62, v21;
	v13 =	vadd.f32 v50, v53  }
0xa2: {  	v59 =	vld [tilespmem:$0x2370];
	v10 =	vadd.f32 v41, v10;
	v6 =	vadd.f32 v51, v55  }
0xa3: {  	v21 =	vadd.f32 v63, v21;
	v63 =	vld [tilespmem:$0x1FFF0];
	v13 =	vadd.f32 v52, v13  }
0xa4: {  	v20 =	vadd.f32 v43, v20;
	v60 =	vld [tilespmem:$0x23E0];
	v6 =	vadd.f32 v54, v6  }
0xa5: {  	v61 =	vld [tilespmem:$0x23F0];
	v12 =	vadd.f32 v26, v12;
	v13 =	vadd.f32 v56, v13  }
0xa6: {  	v62 =	vld [tilespmem:$0x2460];
	v11 =	vadd.f32 v46, v11;
	v6 =	vadd.f32 v57, v6  }
0xa7: {  	v22 =	vld [tilespmem:$0x2470];
	v20 =	vadd.f32 v49, v20;
	v13 =	vadd.f32 v58, v13  }
0xa8: {  	v45 =	vld [tilespmem:$0x1FFD0];
	v4 =	vadd.f32 v63, v4;
	v6 =	vadd.f32 v59, v6  }
0xa9: {  	v38 =	vld [tilespmem:$0x25E0];
	v12 =	vadd.f32 v18, v12;
	v31 =	vadd.f32 v60, v13  }
0xaa: {  	v27 =	vld [tilespmem:$0x25D0];
	v1 =	vadd.f32 v1, v4;
	v6 =	vadd.f32 v61, v6  }
0xab: {  	v39 =	vld [tilespmem:$0x25F0];
	v11 =	vadd.f32 v47, v11;
	v4 =	vadd.f32 v62, v31  }
0xac: {  	v40 =	vld [tilespmem:$0x2660];
	v1 =	vadd.f32 v7, v1;
	v6 =	vadd.f32 v22, v6  }
0xad: {  	v28 =	vld [tilespmem:$0x26D0];
	v10 =	vadd.f32 v45, v10;
	v4 =	vadd.f32 v30, v4  }
0xae: {  	v29 =	vld [tilespmem:$0x27D0];
	v1 =	vadd.f32 v8, v1;
	v6 =	vadd.f32 v33, v6  }
0xaf: {  	v41 =	vld [tilespmem:$0x2670];
	v12 =	vadd.f32 v27, v12;
	v4 =	vadd.f32 v36, v4  }
0xb0: {  	v42 =	vld [tilespmem:$0x26E0];
	v1 =	vadd.f32 v19, v1;
	v6 =	vadd.f32 v37, v6  }
0xb1: {  	v43 =	vld [tilespmem:$0x26F0];
	v12 =	vadd.f32 v32, v12;
	v4 =	vadd.f32 v38, v4  }
0xb2: {  	v44 =	vld [tilespmem:$0x2760];
	v1 =	vadd.f32 v5, v1;
	v6 =	vadd.f32 v39, v6  }
0xb3: {  	v46 =	vld [tilespmem:$0x2770];
	v48 =	vimm.f32 $0.0e+00;
	v47 =	vadd.f32 v28, v12;
	v45 =	vadd.f32 v40, v4  }
0xb4: {  	v49 =	vld [tilespmem:$0x27E0];
	vm11 =	vgt.f32 v21, $0.0e+00;
	v1 =	vadd.f32 v3, v1;
	v6 =	vadd.f32 v41, v6  }
0xb5: {  	v51 =	vld [tilespmem:$0x27F0];
	vm0 =	vgt.f32 v10, $0.0e+00;
	v10 =	vadd.f32 v34, v47;
	v3 =	vadd.f32 v42, v45  }
0xb6: {  	vm9 =	vgt.f32 v20, $0.0e+00;
	v52 =	vld [tilespmem:$0x2860];
	v1 =	vadd.f32 v2, v1;
	v5 =	vadd.f32 v43, v6  }
0xb7: {  	v53 =	vsel vm9, $0x3F800000, v48;
	v54 =	vld [tilespmem:$0x2870];
	v10 =	vadd.f32 v29, v10;
	v3 =	vadd.f32 v44, v3  }
0xb8: {  	vm10 =	vgt.f32 v11, $0.0e+00;
	v1 =	vadd.f32 v9, v1;
	v4 =	vadd.f32 v46, v5  }
0xb9: {  	v56 =	vsel vm10, $0x3F800000, v48;
	[tilespmem:$0x2890] =	vst v53;
	v57 =	vadd.f32 v35, v10;
	v55 =	vadd.f32 v49, v3  }
0xba: {  	v50 =	vsel vm0, $0x3F800000, v48;
	[tilespmem:$0x28A0] =	vst v56;
	v0 =	vadd.f32 v0, v1;
	v4 =	vadd.f32 v51, v4  }
0xbb: {  	[tilespmem:$0x2880] =	vst v50;
	v58 =	vsel vm11, $0x3F800000, v48;
	vm13 =	vgt.f32 v57, $0.0e+00;
	v59 =	vadd.f32 v52, v55  }
0xbc: {  	[tilespmem:$0x28B0] =	vst v58;
	v62 =	vsel vm13, $0x3F800000, v48;
	vm12 =	vgt.f32 v0, $0.0e+00;
	v61 =	vadd.f32 v54, v4  }
0xbd: {  	[tilespmem:$0x28D0] =	vst v62;
	v60 =	vsel vm12, $0x3F800000, v48;
	vm14 =	vgt.f32 v59, $0.0e+00  }
0xbe: {  	[tilespmem:$0x28C0] =	vst v60;
	v0 =	vsel vm14, $0x3F800000, v48;
	vm15 =	vgt.f32 v61, $0.0e+00  }
0xbf: {  	[tilespmem:$0x28E0] =	vst v0;
	v63 =	vsel vm15, $0x3F800000, v48  }
0xc0: {  	s30 =	simm.s32 $0x0;
	s31 =	simm.s32 $0x2880;
	[tilespmem:$0x28F0] =	vst v63  }
0xc1: {  	[hbm4b:s2+s30] =	stream.linear.scatter [tilespmem:s31], [sflag:$0x1], $0x80, $0x38;
	[tilespmem:$0x3100] =	vst v63  }
0xc2: {  	_ =	swait.ge [sflag:s26], $0x80  }
0xc3: {  	[sflag:s26] =	ssyncset.done $0x0  }
0xc4: {  	[sflag:s26] =	ssyncadd.s32 $0xFFFFFF80  }
0xc5: {  	_ =	sfence.sel $0x180000  }
0xc6: {  	[bflag:$0x0] =	sbarrier.arrive $0xFFFF  }
0xc7: {  	p0 =	sne.s32 s1, $0x0;
	_ =	strace $0x90000047  }
0xc8: {  	s0 =	sadd.s32 @!p0 $0x100000, s0;
	[bflag:$0x2] =	sbarrier.arrive $0xFFFF  }
0xc9: {  	[sflag:s0] =	ssyncadd.tile.s32 @!p0 $0x1;
	_ =	shalt  }
.Lfunc_end2:
_tile_overlayer_lowered:
.L_overlay_start_2:
0xca: {  	(tag) =	ssettag $0x2  }
0xcb: {  	s0 =	rddreg [dreg:$0x0];
	s2 =	stileid.u32  }
0xcc: {  	s1 =	rddreg [dreg:$0x1];
	p0 =	sne.s32 s2, $0x0  }
0xcd: {  	s3 =	rddreg [dreg:$0x2];
	[bflag:$0x3] =	sbarrier.arrive $0xFFFF;
	s2 =	simm.s32 @!p0 $0x1C01  }
0xce: {  	[timem:s3], [sflag:s2] =	dma.local @!p0 [hbm:s0], s1  }
0xcf: {  	s0 =	simm.s32 @!p0 $0x1  }
0xd0: {  	_ =	swait.ge @!p0 [sflag:s0], s1  }
0xd1: {  	s1 =	ssub.s32 @!p0 $0x0, s1;
	[sflag:s0] =	ssyncset.done @!p0 $0x0  }
0xd2: {  	[sflag:s0] =	ssyncadd.s32 @!p0 s1  }
0xd3: {  	[bflag:$0x3] =	sbarrier.arrive $0xFFFF  }
0xd4: {  	_ =	shalt  }

</sc_bundles>
